<compile_context>
chip_gen: v7x
topology: tpu7x:2x2x1
jax: 0.10.2.dev20260603
libtpu: 0.0.44.dev20260713+nightly
codegen_flags: <defaults>
</compile_context>

<pallas_src>
import functools

import jax
import jax.numpy as jnp
from jax import lax
from jax.experimental import pallas as pl
from jax.experimental.pallas import tpu as pltpu
from jax.experimental.pallas import tpu_sc as plsc

NC = 2
NS = 16
L = 16

LN2 = 0.6931471805599453
SQRT2 = 1.4142135623730951


def _log_1_to_k(s):
    bits = plsc.bitcast(s, jnp.int32)
    e = (bits >> 23) - 127
    mbits = (bits & jnp.int32(0x007FFFFF)) | jnp.int32(0x3F800000)
    m = plsc.bitcast(mbits, jnp.float32)
    big = m > jnp.float32(SQRT2)
    m = jnp.where(big, m * jnp.float32(0.5), m)
    e = jnp.where(big, e + 1, e)
    z = (m - jnp.float32(1.0)) / (m + jnp.float32(1.0))
    z2 = z * z
    p = jnp.float32(2.0) + z2 * (
        jnp.float32(2.0 / 3.0)
        + z2 * (jnp.float32(2.0 / 5.0) + z2 * (jnp.float32(2.0 / 7.0) + z2 * jnp.float32(2.0 / 9.0)))
    )
    return z * p + e.astype(jnp.float32) * jnp.float32(LN2)


def _make_sc_loss(bsz, m, k):
    rows = bsz * m
    nw = NC * NS
    rpw = rows // nw
    ch = 256
    nch = rpw // ch
    gpc = ch // L
    kv = k // L

    mesh = plsc.VectorSubcoreMesh(core_axis_name="c", subcore_axis_name="s")

    @functools.partial(
        pl.kernel,
        out_type=jax.ShapeDtypeStruct((2, nw, L), jnp.float32),
        mesh=mesh,
        compiler_params=pltpu.CompilerParams(needs_layout_passes=False),
        scratch_types=[
            pltpu.VMEM((2 * ch * k,), jnp.float32),
            pltpu.VMEM((2 * (ch + 8),), jnp.int32),
            pltpu.VMEM((2 * (ch + 8),), jnp.int32),
            pltpu.VMEM((k,), jnp.float32),
            pltpu.VMEM((ch * 17,), jnp.float32),
            pltpu.VMEM((ch * 17,), jnp.float32),
            pltpu.VMEM((L,), jnp.float32),
            pltpu.VMEM((L,), jnp.float32),
            pltpu.SemaphoreType.DMA,
            pltpu.SemaphoreType.DMA,
        ],
    )
    def sc_loss(x_hbm, lab_hbm, msk_hbm, w_hbm, part_hbm,
                xbuf, gtbuf, kpbuf, wbuf,
                st_m, st_s, st_wnll, st_wsum, sem_a, sem_b):
        wid = lax.axis_index("s") * NC + lax.axis_index("c")
        base = wid * rpw
        bb = base // m
        lanes = lax.iota(jnp.int32, L)
        zeros = jnp.zeros((L,), jnp.float32)

        def dma_start(ci, slot, sem):
            st = base + ci * ch
            off = st + bb + 1
            al = pl.multiple_of((off // 8) * 8, 8)
            pltpu.make_async_copy(
                x_hbm.at[pl.ds(st * k, ch * k)],
                xbuf.at[pl.ds(slot * (ch * k), ch * k)], sem).start()
            pltpu.make_async_copy(
                lab_hbm.at[pl.ds(al, ch + 8)],
                gtbuf.at[pl.ds(slot * (ch + 8), ch + 8)], sem).start()
            pltpu.make_async_copy(
                msk_hbm.at[pl.ds(al, ch + 8)],
                kpbuf.at[pl.ds(slot * (ch + 8), ch + 8)], sem).start()

        def dma_wait(slot, sem):
            pltpu.make_async_copy(
                x_hbm.at[pl.ds(0, ch * k)],
                xbuf.at[pl.ds(slot * (ch * k), ch * k)], sem).wait()
            pltpu.make_async_copy(
                lab_hbm.at[pl.ds(0, ch + 8)],
                gtbuf.at[pl.ds(slot * (ch + 8), ch + 8)], sem).wait()
            pltpu.make_async_copy(
                msk_hbm.at[pl.ds(0, ch + 8)],
                kpbuf.at[pl.ds(slot * (ch + 8), ch + 8)], sem).wait()

        def compute_chunk(ci, slot, carry):
            shift = (base + ci * ch + bb + 1) % 8
            xoff = slot * (ch * k)
            goff = slot * (ch + 8)
            @plsc.parallel_loop(0, ch, 1, unroll=4)
            def _(r):
                rbase = xoff + r * k
                vs = [xbuf[pl.ds(rbase + j * L, L)] for j in range(kv)]
                t = vs
                while len(t) > 1:
                    t = [jnp.maximum(t[2 * i], t[2 * i + 1]) for i in range(len(t) // 2)]
                bm = jnp.max(t[0]) + zeros
                es = [jnp.exp(v - bm) for v in vs]
                while len(es) > 1:
                    es = [es[2 * i] + es[2 * i + 1] for i in range(len(es) // 2)]
                bs = jnp.sum(es[0]) + zeros
                st_m[pl.ds(r * 17, L)] = bm
                st_s[pl.ds(r * 17, L)] = bs

            def group_body(g, carry2):
                a1, a2 = carry2
                rows16 = g * L + lanes
                gt16 = gtbuf[pl.ds(goff + shift + g * L, L)]
                xg = plsc.load_gather(xbuf, [xoff + rows16 * k + gt16])
                wv = plsc.load_gather(wbuf, [gt16])
                mv = plsc.load_gather(st_m, [rows16 * 17])
                sv = plsc.load_gather(st_s, [rows16 * 17])
                kp = kpbuf[pl.ds(goff + shift + g * L, L)]
                w = jnp.where(kp != 0, wv, jnp.float32(0.0))
                nll = _log_1_to_k(sv) + mv - xg
                return (a1 + w * nll, a2 + w)

            return lax.fori_loop(0, gpc, group_body, carry)

        def dma_start_d(ci, slot):
            @pl.when(slot == 0)
            def _():
                dma_start(ci, 0, sem_a)

            @pl.when(slot != 0)
            def _():
                dma_start(ci, 1, sem_b)

        def dma_wait_d(slot):
            @pl.when(slot == 0)
            def _():
                dma_wait(0, sem_a)

            @pl.when(slot != 0)
            def _():
                dma_wait(1, sem_b)

        dma_start(0, 0, sem_a)
        dma_start(1, 1, sem_b)
        pltpu.sync_copy(w_hbm, wbuf)

        def chunk_loop(ci, carry):
            slot = ci % 2
            dma_wait_d(slot)
            carry = compute_chunk(ci, slot, carry)

            @pl.when(ci + 2 < nch)
            def _():
                dma_start_d(ci + 2, slot)

            return carry

        a_wnll, a_w = lax.fori_loop(0, nch, chunk_loop, (zeros, zeros))
        st_wnll[...] = a_wnll
        st_wsum[...] = a_w
        pltpu.sync_copy(st_wnll, part_hbm.at[0, wid])
        pltpu.sync_copy(st_wsum, part_hbm.at[1, wid])

    return sc_loss


def kernel(outputs, lables, masks, weight):
    b, m, k = outputs.shape
    x = outputs.reshape(b * m * k)
    lab = lables.reshape(b * (m + 1))
    msk = masks.reshape(b * (m + 1))
    part = _make_sc_loss(b, m, k)(x, lab, msk, weight)
    tot = jnp.sum(part.reshape(2, -1), axis=1)
    return tot[0] / tot[1]

# --- scband reference (transcript-rebuilt; emitter-appended) ---
"""Pipeline reference for scband-my-loss-37821482008727 (READ-ONLY COPY).

The authoritative reference and input builder live on the scoring server;
editing this copy changes nothing except your own understanding.
"""

import jax, jax.numpy as jnp
import numpy as np

B, M1, K = 16, 4097, 128
M = M1 - 1

def setup_inputs(seed: int = 0) -> dict:
    key = jax.random.key(seed)
    k1, k2, k3 = jax.random.split(key, 3)
    outputs = jax.random.normal(k1, (B, M, K), dtype=jnp.float32)
    lables = jax.random.randint(k2, (B, M1), 0, K, dtype=jnp.int32)
    masks = jax.random.randint(k3, (B, M1), 0, 2, dtype=jnp.int32)
    weight = jnp.ones((K,), dtype=jnp.float32)
    return {"outputs": outputs, "lables": lables, "masks": masks, "weight": weight}

def reference(outputs, lables, masks, weight):
    B_, M_, K_ = outputs.shape
    gt = lables[:, 1:]
    keep = (masks[:, 1:] != 0).astype(outputs.dtype)
    logp = jax.nn.log_softmax(outputs, axis=-1)
    nll = -jnp.take_along_axis(logp, gt[:, :, None], axis=2)[:, :, 0]
    w = jnp.take(weight, gt, axis=0) * keep
    loss = jnp.sum(w * nll) / jnp.sum(w)
    return loss

if __name__ == "__main__":
    import jax
    _d = setup_inputs()
    print(jax.jit(kernel)(*tuple(_d.values())))

</pallas_src>

<mosaic_0001>
#map = affine_map<(d0, d1) -> (0)>
#map1 = affine_map<(d0, d1) -> (0, 0, 0)>
module attributes {stable_mosaic.version = 14 : i64} {
  func.func @sc_loss(%arg0: i32, %arg1: i32, %arg2: memref<8388608xf32, #tpu.memory_space<hbm>>, %arg3: memref<65552xi32, #tpu.memory_space<hbm>>, %arg4: memref<65552xi32, #tpu.memory_space<hbm>>, %arg5: memref<128xf32, #tpu.memory_space<hbm>>, %arg6: memref<2x32x16xf32, #tpu.memory_space<hbm>>, %arg7: memref<65536xf32, #tpu.memory_space<vmem>>, %arg8: memref<528xi32, #tpu.memory_space<vmem>>, %arg9: memref<528xi32, #tpu.memory_space<vmem>>, %arg10: memref<128xf32, #tpu.memory_space<vmem>>, %arg11: memref<4352xf32, #tpu.memory_space<vmem>>, %arg12: memref<4352xf32, #tpu.memory_space<vmem>>, %arg13: memref<16xf32, #tpu.memory_space<vmem>>, %arg14: memref<16xf32, #tpu.memory_space<vmem>>, %arg15: memref<!tpu.dma_semaphore, #tpu.memory_space<semaphore_mem>>, %arg16: memref<!tpu.dma_semaphore, #tpu.memory_space<semaphore_mem>>) attributes {dimension_semantics = [#tpu.dimension_semantics<core_parallel>, #tpu.dimension_semantics<subcore_parallel>], iteration_bounds = array<i64: 2, 16>, scalar_prefetch = 0 : i64, scratch_operands = 10 : i64, tpu.core_type = #tpu.core_type<sc_vector_subcore>, window_params = [{transform_indices = #map}, {transform_indices = #map}, {transform_indices = #map}, {transform_indices = #map}, {transform_indices = #map1}]} {
    %mul3A = arith.constant 2 : i32
    %mul3A_0 = arith.muli %arg1, %mul3A : i32
    %add3A = arith.addi %mul3A_0, %arg0 : i32
    %mul3A_1 = arith.constant 2048 : i32
    %mul3A_2 = arith.muli %add3A, %mul3A_1 : i32
    %jit3A = arith.constant 4096 : i32
    %div3A = arith.divsi %mul3A_2, %jit3A : i32
    %sign3A = arith.constant 0 : i32
    %sign3A_3 = arith.cmpi sgt, %mul3A_2, %sign3A : i32
    %sign3A_4 = arith.extui %sign3A_3 : i1 to i32
    %sign3A_5 = arith.constant 0 : i32
    %sign3A_6 = arith.cmpi slt, %mul3A_2, %sign3A_5 : i32
    %sign3A_7 = arith.extui %sign3A_6 : i1 to i32
    %sign3A_8 = arith.subi %sign3A_4, %sign3A_7 : i32
    %sign3A_9 = arith.constant 0 : i32
    %sign3A_10 = arith.cmpi sgt, %jit3A, %sign3A_9 : i32
    %sign3A_11 = arith.extui %sign3A_10 : i1 to i32
    %sign3A_12 = arith.constant 0 : i32
    %sign3A_13 = arith.cmpi slt, %jit3A, %sign3A_12 : i32
    %sign3A_14 = arith.extui %sign3A_13 : i1 to i32
    %sign3A_15 = arith.subi %sign3A_11, %sign3A_14 : i32
    %ne3A = arith.cmpi ne, %sign3A_8, %sign3A_15 : i32
    %rem3A = arith.remsi %mul3A_2, %jit3A : i32
    %ne3A_16 = arith.constant 0 : i32
    %ne3A_17 = arith.cmpi ne, %rem3A, %ne3A_16 : i32
    %and3A = arith.andi %ne3A, %ne3A_17 : i1
    %sub3A = arith.constant 1 : i32
    %sub3A_18 = arith.subi %div3A, %sub3A : i32
    %select_n3A = arith.select %and3A, %sub3A_18, %div3A : i32
    %iota3A = tpu.iota {dimensions = array<i32: 0>} : vector<16xi32>
    %broadcast_in_dim3A = arith.constant 0.000000e+00 : f32
    %broadcast_in_dim3A_19 = vector.broadcast %broadcast_in_dim3A : f32 to vector<16xf32>
    %add3A_20 = arith.constant 0 : i32
    %add3A_21 = arith.addi %mul3A_2, %add3A_20 : i32
    %add3A_22 = arith.addi %add3A_21, %select_n3A : i32
    %add3A_23 = arith.constant 1 : i32
    %add3A_24 = arith.addi %add3A_22, %add3A_23 : i32
    %jit3A_25 = arith.constant 8 : i32
    %div3A_26 = arith.divsi %add3A_24, %jit3A_25 : i32
    %sign3A_27 = arith.constant 0 : i32
    %sign3A_28 = arith.cmpi sgt, %add3A_24, %sign3A_27 : i32
    %sign3A_29 = arith.extui %sign3A_28 : i1 to i32
    %sign3A_30 = arith.constant 0 : i32
    %sign3A_31 = arith.cmpi slt, %add3A_24, %sign3A_30 : i32
    %sign3A_32 = arith.extui %sign3A_31 : i1 to i32
    %sign3A_33 = arith.subi %sign3A_29, %sign3A_32 : i32
    %sign3A_34 = arith.constant 0 : i32
    %sign3A_35 = arith.cmpi sgt, %jit3A_25, %sign3A_34 : i32
    %sign3A_36 = arith.extui %sign3A_35 : i1 to i32
    %sign3A_37 = arith.constant 0 : i32
    %sign3A_38 = arith.cmpi slt, %jit3A_25, %sign3A_37 : i32
    %sign3A_39 = arith.extui %sign3A_38 : i1 to i32
    %sign3A_40 = arith.subi %sign3A_36, %sign3A_39 : i32
    %ne3A_41 = arith.cmpi ne, %sign3A_33, %sign3A_40 : i32
    %rem3A_42 = arith.remsi %add3A_24, %jit3A_25 : i32
    %ne3A_43 = arith.constant 0 : i32
    %ne3A_44 = arith.cmpi ne, %rem3A_42, %ne3A_43 : i32
    %and3A_45 = arith.andi %ne3A_41, %ne3A_44 : i1
    %sub3A_46 = arith.constant 1 : i32
    %sub3A_47 = arith.subi %div3A_26, %sub3A_46 : i32
    %select_n3A_48 = arith.select %and3A_45, %sub3A_47, %div3A_26 : i32
    %mul3A_49 = arith.constant 8 : i32
    %mul3A_50 = arith.muli %select_n3A_48, %mul3A_49 : i32
    %multiple_of3A = tpu.assume_multiple %mul3A_50, 8 : i32
    %mul3A_51 = arith.constant 128 : i32
    %mul3A_52 = arith.muli %add3A_21, %mul3A_51 : i32
    %dma_start3A = arith.constant 0 : i32
    %dma_start3A_53 = tpu.memref_slice %arg7[%dma_start3A] : memref<65536xf32, #tpu.memory_space<vmem>> -> memref<32768xf32, #tpu.memory_space<vmem>>
    %dma_start3A_54 = tpu.memref_slice %arg2[%mul3A_52] : memref<8388608xf32, #tpu.memory_space<hbm>> -> memref<32768xf32, #tpu.memory_space<hbm>>
    %dma_start3A_55 = arith.constant 0 : i32
    %dma_start3A_56 = tpu.memref_slice %arg7[%dma_start3A_55] : memref<65536xf32, #tpu.memory_space<vmem>> -> memref<32768xf32, #tpu.memory_space<vmem>>
    %dma_start3A_57 = tpu.memref_slice %arg2[%mul3A_52] : memref<8388608xf32, #tpu.memory_space<hbm>> -> memref<32768xf32, #tpu.memory_space<hbm>>
    tpu.enqueue_dma source(%dma_start3A_57 : memref<32768xf32, #tpu.memory_space<hbm>>) target(%dma_start3A_56 : memref<32768xf32, #tpu.memory_space<vmem>>) target_semaphore(%arg15 : memref<!tpu.dma_semaphore, #tpu.memory_space<semaphore_mem>>)
    %dma_start3A_58 = arith.constant 0 : i32
    %dma_start3A_59 = tpu.memref_slice %arg8[%dma_start3A_58] : memref<528xi32, #tpu.memory_space<vmem>> -> memref<264xi32, #tpu.memory_space<vmem>>
    %dma_start3A_60 = tpu.memref_slice %arg3[%multiple_of3A] : memref<65552xi32, #tpu.memory_space<hbm>> -> memref<264xi32, #tpu.memory_space<hbm>>
    %dma_start3A_61 = arith.constant 0 : i32
    %dma_start3A_62 = tpu.memref_slice %arg8[%dma_start3A_61] : memref<528xi32, #tpu.memory_space<vmem>> -> memref<264xi32, #tpu.memory_space<vmem>>
    %dma_start3A_63 = tpu.memref_slice %arg3[%multiple_of3A] : memref<65552xi32, #tpu.memory_space<hbm>> -> memref<264xi32, #tpu.memory_space<hbm>>
    tpu.enqueue_dma source(%dma_start3A_63 : memref<264xi32, #tpu.memory_space<hbm>>) target(%dma_start3A_62 : memref<264xi32, #tpu.memory_space<vmem>>) target_semaphore(%arg15 : memref<!tpu.dma_semaphore, #tpu.memory_space<semaphore_mem>>)
    %dma_start3A_64 = arith.constant 0 : i32
    %dma_start3A_65 = tpu.memref_slice %arg9[%dma_start3A_64] : memref<528xi32, #tpu.memory_space<vmem>> -> memref<264xi32, #tpu.memory_space<vmem>>
    %dma_start3A_66 = tpu.memref_slice %arg4[%multiple_of3A] : memref<65552xi32, #tpu.memory_space<hbm>> -> memref<264xi32, #tpu.memory_space<hbm>>
    %dma_start3A_67 = arith.constant 0 : i32
    %dma_start3A_68 = tpu.memref_slice %arg9[%dma_start3A_67] : memref<528xi32, #tpu.memory_space<vmem>> -> memref<264xi32, #tpu.memory_space<vmem>>
    %dma_start3A_69 = tpu.memref_slice %arg4[%multiple_of3A] : memref<65552xi32, #tpu.memory_space<hbm>> -> memref<264xi32, #tpu.memory_space<hbm>>
    tpu.enqueue_dma source(%dma_start3A_69 : memref<264xi32, #tpu.memory_space<hbm>>) target(%dma_start3A_68 : memref<264xi32, #tpu.memory_space<vmem>>) target_semaphore(%arg15 : memref<!tpu.dma_semaphore, #tpu.memory_space<semaphore_mem>>)
    %add3A_70 = arith.constant 256 : i32
    %add3A_71 = arith.addi %mul3A_2, %add3A_70 : i32
    %add3A_72 = arith.addi %add3A_71, %select_n3A : i32
    %add3A_73 = arith.constant 1 : i32
    %add3A_74 = arith.addi %add3A_72, %add3A_73 : i32
    %jit3A_75 = arith.constant 8 : i32
    %div3A_76 = arith.divsi %add3A_74, %jit3A_75 : i32
    %sign3A_77 = arith.constant 0 : i32
    %sign3A_78 = arith.cmpi sgt, %add3A_74, %sign3A_77 : i32
    %sign3A_79 = arith.extui %sign3A_78 : i1 to i32
    %sign3A_80 = arith.constant 0 : i32
    %sign3A_81 = arith.cmpi slt, %add3A_74, %sign3A_80 : i32
    %sign3A_82 = arith.extui %sign3A_81 : i1 to i32
    %sign3A_83 = arith.subi %sign3A_79, %sign3A_82 : i32
    %sign3A_84 = arith.constant 0 : i32
    %sign3A_85 = arith.cmpi sgt, %jit3A_75, %sign3A_84 : i32
    %sign3A_86 = arith.extui %sign3A_85 : i1 to i32
    %sign3A_87 = arith.constant 0 : i32
    %sign3A_88 = arith.cmpi slt, %jit3A_75, %sign3A_87 : i32
    %sign3A_89 = arith.extui %sign3A_88 : i1 to i32
    %sign3A_90 = arith.subi %sign3A_86, %sign3A_89 : i32
    %ne3A_91 = arith.cmpi ne, %sign3A_83, %sign3A_90 : i32
    %rem3A_92 = arith.remsi %add3A_74, %jit3A_75 : i32
    %ne3A_93 = arith.constant 0 : i32
    %ne3A_94 = arith.cmpi ne, %rem3A_92, %ne3A_93 : i32
    %and3A_95 = arith.andi %ne3A_91, %ne3A_94 : i1
    %sub3A_96 = arith.constant 1 : i32
    %sub3A_97 = arith.subi %div3A_76, %sub3A_96 : i32
    %select_n3A_98 = arith.select %and3A_95, %sub3A_97, %div3A_76 : i32
    %mul3A_99 = arith.constant 8 : i32
    %mul3A_100 = arith.muli %select_n3A_98, %mul3A_99 : i32
    %multiple_of3A_101 = tpu.assume_multiple %mul3A_100, 8 : i32
    %mul3A_102 = arith.constant 128 : i32
    %mul3A_103 = arith.muli %add3A_71, %mul3A_102 : i32
    %dma_start3A_104 = arith.constant 32768 : i32
    %dma_start3A_105 = tpu.memref_slice %arg7[%dma_start3A_104] : memref<65536xf32, #tpu.memory_space<vmem>> -> memref<32768xf32, #tpu.memory_space<vmem>>
    %dma_start3A_106 = tpu.memref_slice %arg2[%mul3A_103] : memref<8388608xf32, #tpu.memory_space<hbm>> -> memref<32768xf32, #tpu.memory_space<hbm>>
    %dma_start3A_107 = arith.constant 32768 : i32
    %dma_start3A_108 = tpu.memref_slice %arg7[%dma_start3A_107] : memref<65536xf32, #tpu.memory_space<vmem>> -> memref<32768xf32, #tpu.memory_space<vmem>>
    %dma_start3A_109 = tpu.memref_slice %arg2[%mul3A_103] : memref<8388608xf32, #tpu.memory_space<hbm>> -> memref<32768xf32, #tpu.memory_space<hbm>>
    tpu.enqueue_dma source(%dma_start3A_109 : memref<32768xf32, #tpu.memory_space<hbm>>) target(%dma_start3A_108 : memref<32768xf32, #tpu.memory_space<vmem>>) target_semaphore(%arg16 : memref<!tpu.dma_semaphore, #tpu.memory_space<semaphore_mem>>)
    %dma_start3A_110 = arith.constant 264 : i32
    %dma_start3A_111 = tpu.memref_slice %arg8[%dma_start3A_110] : memref<528xi32, #tpu.memory_space<vmem>> -> memref<264xi32, #tpu.memory_space<vmem>>
    %dma_start3A_112 = tpu.memref_slice %arg3[%multiple_of3A_101] : memref<65552xi32, #tpu.memory_space<hbm>> -> memref<264xi32, #tpu.memory_space<hbm>>
    %dma_start3A_113 = arith.constant 264 : i32
    %dma_start3A_114 = tpu.memref_slice %arg8[%dma_start3A_113] : memref<528xi32, #tpu.memory_space<vmem>> -> memref<264xi32, #tpu.memory_space<vmem>>
    %dma_start3A_115 = tpu.memref_slice %arg3[%multiple_of3A_101] : memref<65552xi32, #tpu.memory_space<hbm>> -> memref<264xi32, #tpu.memory_space<hbm>>
    tpu.enqueue_dma source(%dma_start3A_115 : memref<264xi32, #tpu.memory_space<hbm>>) target(%dma_start3A_114 : memref<264xi32, #tpu.memory_space<vmem>>) target_semaphore(%arg16 : memref<!tpu.dma_semaphore, #tpu.memory_space<semaphore_mem>>)
    %dma_start3A_116 = arith.constant 264 : i32
    %dma_start3A_117 = tpu.memref_slice %arg9[%dma_start3A_116] : memref<528xi32, #tpu.memory_space<vmem>> -> memref<264xi32, #tpu.memory_space<vmem>>
    %dma_start3A_118 = tpu.memref_slice %arg4[%multiple_of3A_101] : memref<65552xi32, #tpu.memory_space<hbm>> -> memref<264xi32, #tpu.memory_space<hbm>>
    %dma_start3A_119 = arith.constant 264 : i32
    %dma_start3A_120 = tpu.memref_slice %arg9[%dma_start3A_119] : memref<528xi32, #tpu.memory_space<vmem>> -> memref<264xi32, #tpu.memory_space<vmem>>
    %dma_start3A_121 = tpu.memref_slice %arg4[%multiple_of3A_101] : memref<65552xi32, #tpu.memory_space<hbm>> -> memref<264xi32, #tpu.memory_space<hbm>>
    tpu.enqueue_dma source(%dma_start3A_121 : memref<264xi32, #tpu.memory_space<hbm>>) target(%dma_start3A_120 : memref<264xi32, #tpu.memory_space<vmem>>) target_semaphore(%arg16 : memref<!tpu.dma_semaphore, #tpu.memory_space<semaphore_mem>>)
    "tpu.region"() ({
      %run_scoped3A_131 = tpu.sem_alloc : memref<!tpu.dma_semaphore, #tpu.memory_space<semaphore_mem>>
      tpu.enqueue_dma source(%arg5 : memref<128xf32, #tpu.memory_space<hbm>>) target(%arg10 : memref<128xf32, #tpu.memory_space<vmem>>) target_semaphore(%run_scoped3A_131 : memref<!tpu.dma_semaphore, #tpu.memory_space<semaphore_mem>>)
      tpu.wait_dma2 semaphore(%run_scoped3A_131 : memref<!tpu.dma_semaphore, #tpu.memory_space<semaphore_mem>>) src(%arg5 : memref<128xf32, #tpu.memory_space<hbm>>) dst(%arg10 : memref<128xf32, #tpu.memory_space<vmem>>)
      tpu.yield
    }) : () -> ()
    %scan3A = arith.constant 0 : i32
    %scan3A_122 = arith.constant 8 : i32
    %scan3A_123 = arith.addi %scan3A, %scan3A_122 : i32
    %scan3A_124 = arith.constant 1 : i32
    %scan3A_125:2 = scf.for %scan3A_131 = %scan3A to %scan3A_123 step %scan3A_124 iter_args(%scan3A_132 = %broadcast_in_dim3A_19, %scan3A_133 = %broadcast_in_dim3A_19) -> (vector<16xf32>, vector<16xf32>)  : i32 {
      %jit3A_134 = arith.constant 2 : i32
      %eq3A = arith.constant 0 : i32
      %eq3A_135 = arith.cmpi eq, %jit3A_134, %eq3A : i32
      %jit3A_136 = arith.constant 1 : i32
      %select_n3A_137 = arith.select %eq3A_135, %jit3A_136, %jit3A_134 : i32
      %rem3A_138 = arith.remsi %scan3A_131, %select_n3A_137 : i32
      %ne3A_139 = arith.constant 0 : i32
      %ne3A_140 = arith.cmpi ne, %rem3A_138, %ne3A_139 : i32
      %lt3A = arith.constant 0 : i32
      %lt3A_141 = arith.cmpi slt, %rem3A_138, %lt3A : i32
      %lt3A_142 = arith.constant 0 : i32
      %lt3A_143 = arith.cmpi slt, %select_n3A_137, %lt3A_142 : i32
      %ne3A_144 = arith.xori %lt3A_141, %lt3A_143 : i1
      %and3A_145 = arith.andi %ne3A_144, %ne3A_140 : i1
      %add3A_146 = arith.addi %rem3A_138, %select_n3A_137 : i32
      %select_n3A_147 = arith.select %and3A_145, %add3A_146, %rem3A_138 : i32
      %eq3A_148 = arith.constant 0 : i32
      %eq3A_149 = arith.cmpi eq, %select_n3A_147, %eq3A_148 : i32
      %convert_element_type3A = arith.extui %eq3A_149 : i1 to i32
      %cond3A = arith.constant 0 : i32
      %cond3A_150 = arith.cmpi ne, %convert_element_type3A, %cond3A : i32
      scf.if %cond3A_150 {
        %dma_wait3A = arith.constant 0 : i32
        %dma_wait3A_197 = tpu.memref_slice %arg7[%dma_wait3A] : memref<65536xf32, #tpu.memory_space<vmem>> -> memref<32768xf32, #tpu.memory_space<vmem>>
        %dma_wait3A_198 = arith.constant 0 : i32
        %dma_wait3A_199 = tpu.memref_slice %arg2[%dma_wait3A_198] : memref<8388608xf32, #tpu.memory_space<hbm>> -> memref<32768xf32, #tpu.memory_space<hbm>>
        %dma_wait3A_200 = arith.constant 0 : i32
        %dma_wait3A_201 = tpu.memref_slice %arg7[%dma_wait3A_200] : memref<65536xf32, #tpu.memory_space<vmem>> -> memref<32768xf32, #tpu.memory_space<vmem>>
        %dma_wait3A_202 = arith.constant 0 : i32
        %dma_wait3A_203 = tpu.memref_slice %arg2[%dma_wait3A_202] : memref<8388608xf32, #tpu.memory_space<hbm>> -> memref<32768xf32, #tpu.memory_space<hbm>>
        tpu.wait_dma2 semaphore(%arg15 : memref<!tpu.dma_semaphore, #tpu.memory_space<semaphore_mem>>) src(%dma_wait3A_203 : memref<32768xf32, #tpu.memory_space<hbm>>) dst(%dma_wait3A_201 : memref<32768xf32, #tpu.memory_space<vmem>>)
        %dma_wait3A_204 = arith.constant 0 : i32
        %dma_wait3A_205 = tpu.memref_slice %arg8[%dma_wait3A_204] : memref<528xi32, #tpu.memory_space<vmem>> -> memref<264xi32, #tpu.memory_space<vmem>>
        %dma_wait3A_206 = arith.constant 0 : i32
        %dma_wait3A_207 = tpu.memref_slice %arg3[%dma_wait3A_206] : memref<65552xi32, #tpu.memory_space<hbm>> -> memref<264xi32, #tpu.memory_space<hbm>>
        %dma_wait3A_208 = arith.constant 0 : i32
        %dma_wait3A_209 = tpu.memref_slice %arg8[%dma_wait3A_208] : memref<528xi32, #tpu.memory_space<vmem>> -> memref<264xi32, #tpu.memory_space<vmem>>
        %dma_wait3A_210 = arith.constant 0 : i32
        %dma_wait3A_211 = tpu.memref_slice %arg3[%dma_wait3A_210] : memref<65552xi32, #tpu.memory_space<hbm>> -> memref<264xi32, #tpu.memory_space<hbm>>
        tpu.wait_dma2 semaphore(%arg15 : memref<!tpu.dma_semaphore, #tpu.memory_space<semaphore_mem>>) src(%dma_wait3A_211 : memref<264xi32, #tpu.memory_space<hbm>>) dst(%dma_wait3A_209 : memref<264xi32, #tpu.memory_space<vmem>>)
        %dma_wait3A_212 = arith.constant 0 : i32
        %dma_wait3A_213 = tpu.memref_slice %arg9[%dma_wait3A_212] : memref<528xi32, #tpu.memory_space<vmem>> -> memref<264xi32, #tpu.memory_space<vmem>>
        %dma_wait3A_214 = arith.constant 0 : i32
        %dma_wait3A_215 = tpu.memref_slice %arg4[%dma_wait3A_214] : memref<65552xi32, #tpu.memory_space<hbm>> -> memref<264xi32, #tpu.memory_space<hbm>>
        %dma_wait3A_216 = arith.constant 0 : i32
        %dma_wait3A_217 = tpu.memref_slice %arg9[%dma_wait3A_216] : memref<528xi32, #tpu.memory_space<vmem>> -> memref<264xi32, #tpu.memory_space<vmem>>
        %dma_wait3A_218 = arith.constant 0 : i32
        %dma_wait3A_219 = tpu.memref_slice %arg4[%dma_wait3A_218] : memref<65552xi32, #tpu.memory_space<hbm>> -> memref<264xi32, #tpu.memory_space<hbm>>
        tpu.wait_dma2 semaphore(%arg15 : memref<!tpu.dma_semaphore, #tpu.memory_space<semaphore_mem>>) src(%dma_wait3A_219 : memref<264xi32, #tpu.memory_space<hbm>>) dst(%dma_wait3A_217 : memref<264xi32, #tpu.memory_space<vmem>>)
      } else {
      }
      %ne3A_151 = arith.constant 0 : i32
      %ne3A_152 = arith.cmpi ne, %select_n3A_147, %ne3A_151 : i32
      %convert_element_type3A_153 = arith.extui %ne3A_152 : i1 to i32
      %cond3A_154 = arith.constant 0 : i32
      %cond3A_155 = arith.cmpi ne, %convert_element_type3A_153, %cond3A_154 : i32
      scf.if %cond3A_155 {
        %dma_wait3A = arith.constant 32768 : i32
        %dma_wait3A_197 = tpu.memref_slice %arg7[%dma_wait3A] : memref<65536xf32, #tpu.memory_space<vmem>> -> memref<32768xf32, #tpu.memory_space<vmem>>
        %dma_wait3A_198 = arith.constant 0 : i32
        %dma_wait3A_199 = tpu.memref_slice %arg2[%dma_wait3A_198] : memref<8388608xf32, #tpu.memory_space<hbm>> -> memref<32768xf32, #tpu.memory_space<hbm>>
        %dma_wait3A_200 = arith.constant 32768 : i32
        %dma_wait3A_201 = tpu.memref_slice %arg7[%dma_wait3A_200] : memref<65536xf32, #tpu.memory_space<vmem>> -> memref<32768xf32, #tpu.memory_space<vmem>>
        %dma_wait3A_202 = arith.constant 0 : i32
        %dma_wait3A_203 = tpu.memref_slice %arg2[%dma_wait3A_202] : memref<8388608xf32, #tpu.memory_space<hbm>> -> memref<32768xf32, #tpu.memory_space<hbm>>
        tpu.wait_dma2 semaphore(%arg16 : memref<!tpu.dma_semaphore, #tpu.memory_space<semaphore_mem>>) src(%dma_wait3A_203 : memref<32768xf32, #tpu.memory_space<hbm>>) dst(%dma_wait3A_201 : memref<32768xf32, #tpu.memory_space<vmem>>)
        %dma_wait3A_204 = arith.constant 264 : i32
        %dma_wait3A_205 = tpu.memref_slice %arg8[%dma_wait3A_204] : memref<528xi32, #tpu.memory_space<vmem>> -> memref<264xi32, #tpu.memory_space<vmem>>
        %dma_wait3A_206 = arith.constant 0 : i32
        %dma_wait3A_207 = tpu.memref_slice %arg3[%dma_wait3A_206] : memref<65552xi32, #tpu.memory_space<hbm>> -> memref<264xi32, #tpu.memory_space<hbm>>
        %dma_wait3A_208 = arith.constant 264 : i32
        %dma_wait3A_209 = tpu.memref_slice %arg8[%dma_wait3A_208] : memref<528xi32, #tpu.memory_space<vmem>> -> memref<264xi32, #tpu.memory_space<vmem>>
        %dma_wait3A_210 = arith.constant 0 : i32
        %dma_wait3A_211 = tpu.memref_slice %arg3[%dma_wait3A_210] : memref<65552xi32, #tpu.memory_space<hbm>> -> memref<264xi32, #tpu.memory_space<hbm>>
        tpu.wait_dma2 semaphore(%arg16 : memref<!tpu.dma_semaphore, #tpu.memory_space<semaphore_mem>>) src(%dma_wait3A_211 : memref<264xi32, #tpu.memory_space<hbm>>) dst(%dma_wait3A_209 : memref<264xi32, #tpu.memory_space<vmem>>)
        %dma_wait3A_212 = arith.constant 264 : i32
        %dma_wait3A_213 = tpu.memref_slice %arg9[%dma_wait3A_212] : memref<528xi32, #tpu.memory_space<vmem>> -> memref<264xi32, #tpu.memory_space<vmem>>
        %dma_wait3A_214 = arith.constant 0 : i32
        %dma_wait3A_215 = tpu.memref_slice %arg4[%dma_wait3A_214] : memref<65552xi32, #tpu.memory_space<hbm>> -> memref<264xi32, #tpu.memory_space<hbm>>
        %dma_wait3A_216 = arith.constant 264 : i32
        %dma_wait3A_217 = tpu.memref_slice %arg9[%dma_wait3A_216] : memref<528xi32, #tpu.memory_space<vmem>> -> memref<264xi32, #tpu.memory_space<vmem>>
        %dma_wait3A_218 = arith.constant 0 : i32
        %dma_wait3A_219 = tpu.memref_slice %arg4[%dma_wait3A_218] : memref<65552xi32, #tpu.memory_space<hbm>> -> memref<264xi32, #tpu.memory_space<hbm>>
        tpu.wait_dma2 semaphore(%arg16 : memref<!tpu.dma_semaphore, #tpu.memory_space<semaphore_mem>>) src(%dma_wait3A_219 : memref<264xi32, #tpu.memory_space<hbm>>) dst(%dma_wait3A_217 : memref<264xi32, #tpu.memory_space<vmem>>)
      } else {
      }
      %mul3A_156 = arith.constant 256 : i32
      %mul3A_157 = arith.muli %scan3A_131, %mul3A_156 : i32
      %add3A_158 = arith.addi %mul3A_2, %mul3A_157 : i32
      %add3A_159 = arith.addi %add3A_158, %select_n3A : i32
      %add3A_160 = arith.constant 1 : i32
      %add3A_161 = arith.addi %add3A_159, %add3A_160 : i32
      %jit3A_162 = arith.constant 8 : i32
      %eq3A_163 = arith.constant 0 : i32
      %eq3A_164 = arith.cmpi eq, %jit3A_162, %eq3A_163 : i32
      %jit3A_165 = arith.constant 1 : i32
      %select_n3A_166 = arith.select %eq3A_164, %jit3A_165, %jit3A_162 : i32
      %rem3A_167 = arith.remsi %add3A_161, %select_n3A_166 : i32
      %ne3A_168 = arith.constant 0 : i32
      %ne3A_169 = arith.cmpi ne, %rem3A_167, %ne3A_168 : i32
      %lt3A_170 = arith.constant 0 : i32
      %lt3A_171 = arith.cmpi slt, %rem3A_167, %lt3A_170 : i32
      %lt3A_172 = arith.constant 0 : i32
      %lt3A_173 = arith.cmpi slt, %select_n3A_166, %lt3A_172 : i32
      %ne3A_174 = arith.xori %lt3A_171, %lt3A_173 : i1
      %and3A_175 = arith.andi %ne3A_174, %ne3A_169 : i1
      %add3A_176 = arith.addi %rem3A_167, %select_n3A_166 : i32
      %select_n3A_177 = arith.select %and3A_175, %add3A_176, %rem3A_167 : i32
      %mul3A_178 = arith.constant 32768 : i32
      %mul3A_179 = arith.muli %select_n3A_147, %mul3A_178 : i32
      %mul3A_180 = arith.constant 264 : i32
      %mul3A_181 = arith.muli %select_n3A_147, %mul3A_180 : i32
      %parallel_loop3A = arith.constant 0 : i32
      %parallel_loop3A_182 = arith.constant 256 : i32
      %parallel_loop3A_183 = arith.constant 1 : i32
      scf.for %parallel_loop3A_197 = %parallel_loop3A to %parallel_loop3A_182 step %parallel_loop3A_183  : i32 {
        %parallel_loop3A_198 = arith.constant 128 : i32
        %parallel_loop3A_199 = arith.muli %parallel_loop3A_197, %parallel_loop3A_198 : i32
        %parallel_loop3A_200 = arith.addi %mul3A_179, %parallel_loop3A_199 : i32
        %parallel_loop3A_201 = arith.constant 0 : i32
        %parallel_loop3A_202 = arith.addi %parallel_loop3A_200, %parallel_loop3A_201 : i32
        %parallel_loop3A_203 = arith.index_cast %parallel_loop3A_202 : i32 to index
        %parallel_loop3A_204 = tpu.vector_load %arg7[%parallel_loop3A_203] {strides = array<i32>} : memref<65536xf32, #tpu.memory_space<vmem>>, vector<16xf32>,
        %parallel_loop3A_205 = arith.constant 16 : i32
        %parallel_loop3A_206 = arith.addi %parallel_loop3A_200, %parallel_loop3A_205 : i32
        %parallel_loop3A_207 = arith.index_cast %parallel_loop3A_206 : i32 to index
        %parallel_loop3A_208 = tpu.vector_load %arg7[%parallel_loop3A_207] {strides = array<i32>} : memref<65536xf32, #tpu.memory_space<vmem>>, vector<16xf32>,
        %parallel_loop3A_209 = arith.constant 32 : i32
        %parallel_loop3A_210 = arith.addi %parallel_loop3A_200, %parallel_loop3A_209 : i32
        %parallel_loop3A_211 = arith.index_cast %parallel_loop3A_210 : i32 to index
        %parallel_loop3A_212 = tpu.vector_load %arg7[%parallel_loop3A_211] {strides = array<i32>} : memref<65536xf32, #tpu.memory_space<vmem>>, vector<16xf32>,
        %parallel_loop3A_213 = arith.constant 48 : i32
        %parallel_loop3A_214 = arith.addi %parallel_loop3A_200, %parallel_loop3A_213 : i32
        %parallel_loop3A_215 = arith.index_cast %parallel_loop3A_214 : i32 to index
        %parallel_loop3A_216 = tpu.vector_load %arg7[%parallel_loop3A_215] {strides = array<i32>} : memref<65536xf32, #tpu.memory_space<vmem>>, vector<16xf32>,
        %parallel_loop3A_217 = arith.constant 64 : i32
        %parallel_loop3A_218 = arith.addi %parallel_loop3A_200, %parallel_loop3A_217 : i32
        %parallel_loop3A_219 = arith.index_cast %parallel_loop3A_218 : i32 to index
        %parallel_loop3A_220 = tpu.vector_load %arg7[%parallel_loop3A_219] {strides = array<i32>} : memref<65536xf32, #tpu.memory_space<vmem>>, vector<16xf32>,
        %parallel_loop3A_221 = arith.constant 80 : i32
        %parallel_loop3A_222 = arith.addi %parallel_loop3A_200, %parallel_loop3A_221 : i32
        %parallel_loop3A_223 = arith.index_cast %parallel_loop3A_222 : i32 to index
        %parallel_loop3A_224 = tpu.vector_load %arg7[%parallel_loop3A_223] {strides = array<i32>} : memref<65536xf32, #tpu.memory_space<vmem>>, vector<16xf32>,
        %parallel_loop3A_225 = arith.constant 96 : i32
        %parallel_loop3A_226 = arith.addi %parallel_loop3A_200, %parallel_loop3A_225 : i32
        %parallel_loop3A_227 = arith.index_cast %parallel_loop3A_226 : i32 to index
        %parallel_loop3A_228 = tpu.vector_load %arg7[%parallel_loop3A_227] {strides = array<i32>} : memref<65536xf32, #tpu.memory_space<vmem>>, vector<16xf32>,
        %parallel_loop3A_229 = arith.constant 112 : i32
        %parallel_loop3A_230 = arith.addi %parallel_loop3A_200, %parallel_loop3A_229 : i32
        %parallel_loop3A_231 = arith.index_cast %parallel_loop3A_230 : i32 to index
        %parallel_loop3A_232 = tpu.vector_load %arg7[%parallel_loop3A_231] {strides = array<i32>} : memref<65536xf32, #tpu.memory_space<vmem>>, vector<16xf32>,
        %parallel_loop3A_233 = arith.maximumf %parallel_loop3A_204, %parallel_loop3A_208 : vector<16xf32>
        %parallel_loop3A_234 = arith.maximumf %parallel_loop3A_212, %parallel_loop3A_216 : vector<16xf32>
        %parallel_loop3A_235 = arith.maximumf %parallel_loop3A_220, %parallel_loop3A_224 : vector<16xf32>
        %parallel_loop3A_236 = arith.maximumf %parallel_loop3A_228, %parallel_loop3A_232 : vector<16xf32>
        %parallel_loop3A_237 = arith.maximumf %parallel_loop3A_233, %parallel_loop3A_234 : vector<16xf32>
        %parallel_loop3A_238 = arith.maximumf %parallel_loop3A_235, %parallel_loop3A_236 : vector<16xf32>
        %parallel_loop3A_239 = arith.maximumf %parallel_loop3A_237, %parallel_loop3A_238 : vector<16xf32>
        %parallel_loop3A_240 = arith.constant true
        %parallel_loop3A_241 = vector.broadcast %parallel_loop3A_240 : i1 to vector<16xi1>
        %parallel_loop3A_242 = tpu.scan <max>, %parallel_loop3A_239 masked %parallel_loop3A_241 : vector<16xf32>, vector<16xi1> -> vector<16xf32>
        %parallel_loop3A_243 = vector.extract %parallel_loop3A_242[15] : f32 from vector<16xf32>
        %parallel_loop3A_244 = vector.broadcast %parallel_loop3A_243 : f32 to vector<16xf32>
        %parallel_loop3A_245 = arith.addf %parallel_loop3A_244, %broadcast_in_dim3A_19 : vector<16xf32>
        %parallel_loop3A_246 = arith.subf %parallel_loop3A_204, %parallel_loop3A_245 : vector<16xf32>
        %parallel_loop3A_247 = math.exp %parallel_loop3A_246 : vector<16xf32>
        %parallel_loop3A_248 = arith.subf %parallel_loop3A_208, %parallel_loop3A_245 : vector<16xf32>
        %parallel_loop3A_249 = math.exp %parallel_loop3A_248 : vector<16xf32>
        %parallel_loop3A_250 = arith.subf %parallel_loop3A_212, %parallel_loop3A_245 : vector<16xf32>
        %parallel_loop3A_251 = math.exp %parallel_loop3A_250 : vector<16xf32>
        %parallel_loop3A_252 = arith.subf %parallel_loop3A_216, %parallel_loop3A_245 : vector<16xf32>
        %parallel_loop3A_253 = math.exp %parallel_loop3A_252 : vector<16xf32>
        %parallel_loop3A_254 = arith.subf %parallel_loop3A_220, %parallel_loop3A_245 : vector<16xf32>
        %parallel_loop3A_255 = math.exp %parallel_loop3A_254 : vector<16xf32>
        %parallel_loop3A_256 = arith.subf %parallel_loop3A_224, %parallel_loop3A_245 : vector<16xf32>
        %parallel_loop3A_257 = math.exp %parallel_loop3A_256 : vector<16xf32>
        %parallel_loop3A_258 = arith.subf %parallel_loop3A_228, %parallel_loop3A_245 : vector<16xf32>
        %parallel_loop3A_259 = math.exp %parallel_loop3A_258 : vector<16xf32>
        %parallel_loop3A_260 = arith.subf %parallel_loop3A_232, %parallel_loop3A_245 : vector<16xf32>
        %parallel_loop3A_261 = math.exp %parallel_loop3A_260 : vector<16xf32>
        %parallel_loop3A_262 = arith.addf %parallel_loop3A_247, %parallel_loop3A_249 : vector<16xf32>
        %parallel_loop3A_263 = arith.addf %parallel_loop3A_251, %parallel_loop3A_253 : vector<16xf32>
        %parallel_loop3A_264 = arith.addf %parallel_loop3A_255, %parallel_loop3A_257 : vector<16xf32>
        %parallel_loop3A_265 = arith.addf %parallel_loop3A_259, %parallel_loop3A_261 : vector<16xf32>
        %parallel_loop3A_266 = arith.addf %parallel_loop3A_262, %parallel_loop3A_263 : vector<16xf32>
        %parallel_loop3A_267 = arith.addf %parallel_loop3A_264, %parallel_loop3A_265 : vector<16xf32>
        %parallel_loop3A_268 = arith.addf %parallel_loop3A_266, %parallel_loop3A_267 : vector<16xf32>
        %parallel_loop3A_269 = arith.constant true
        %parallel_loop3A_270 = vector.broadcast %parallel_loop3A_269 : i1 to vector<16xi1>
        %parallel_loop3A_271 = tpu.scan <sum>, %parallel_loop3A_268 masked %parallel_loop3A_270 : vector<16xf32>, vector<16xi1> -> vector<16xf32>
        %parallel_loop3A_272 = vector.extract %parallel_loop3A_271[15] : f32 from vector<16xf32>
        %parallel_loop3A_273 = vector.broadcast %parallel_loop3A_272 : f32 to vector<16xf32>
        %parallel_loop3A_274 = arith.addf %parallel_loop3A_273, %broadcast_in_dim3A_19 : vector<16xf32>
        %parallel_loop3A_275 = arith.constant 17 : i32
        %parallel_loop3A_276 = arith.muli %parallel_loop3A_197, %parallel_loop3A_275 : i32
        %parallel_loop3A_277 = arith.index_cast %parallel_loop3A_276 : i32 to index
        %parallel_loop3A_278 = tpu.vector_load %arg11[%parallel_loop3A_277] {strides = array<i32>} : memref<4352xf32, #tpu.memory_space<vmem>>, vector<16xf32>,
        tpu.vector_store %arg11[%parallel_loop3A_277], %parallel_loop3A_245 {strides = array<i32>} : memref<4352xf32, #tpu.memory_space<vmem>>, vector<16xf32>,
        %parallel_loop3A_279 = arith.constant 17 : i32
        %parallel_loop3A_280 = arith.muli %parallel_loop3A_197, %parallel_loop3A_279 : i32
        %parallel_loop3A_281 = arith.index_cast %parallel_loop3A_280 : i32 to index
        %parallel_loop3A_282 = tpu.vector_load %arg12[%parallel_loop3A_281] {strides = array<i32>} : memref<4352xf32, #tpu.memory_space<vmem>>, vector<16xf32>,
        tpu.vector_store %arg12[%parallel_loop3A_281], %parallel_loop3A_274 {strides = array<i32>} : memref<4352xf32, #tpu.memory_space<vmem>>, vector<16xf32>,
      } {sc.loop_unroll_factor = 4 : i64, sc.parallel_access}
      %scan3A_184 = arith.constant 0 : i32
      %scan3A_185 = arith.constant 16 : i32
      %scan3A_186 = arith.addi %scan3A_184, %scan3A_185 : i32
      %scan3A_187 = arith.constant 1 : i32
      %scan3A_188:2 = scf.for %scan3A_197 = %scan3A_184 to %scan3A_186 step %scan3A_187 iter_args(%scan3A_198 = %scan3A_132, %scan3A_199 = %scan3A_133) -> (vector<16xf32>, vector<16xf32>)  : i32 {
        %mul3A_200 = arith.constant 16 : i32
        %mul3A_201 = arith.muli %scan3A_197, %mul3A_200 : i32
        %add3A_202 = vector.broadcast %mul3A_201 : i32 to vector<16xi32>
        %add3A_203 = arith.addi %add3A_202, %iota3A : vector<16xi32>
        %add3A_204 = arith.addi %mul3A_181, %select_n3A_177 : i32
        %mul3A_205 = arith.constant 16 : i32
        %mul3A_206 = arith.muli %scan3A_197, %mul3A_205 : i32
        %add3A_207 = arith.addi %add3A_204, %mul3A_206 : i32
        %get3A = arith.index_cast %add3A_207 : i32 to index
        %get3A_208 = tpu.vector_load %arg8[%get3A] {strides = array<i32>} : memref<528xi32, #tpu.memory_space<vmem>>, vector<16xi32>,
        %mul3A_209 = arith.constant 128 : i32
        %mul3A_210 = vector.broadcast %mul3A_209 : i32 to vector<16xi32>
        %mul3A_211 = arith.muli %add3A_203, %mul3A_210 : vector<16xi32>
        %add3A_212 = vector.broadcast %mul3A_179 : i32 to vector<16xi32>
        %add3A_213 = arith.addi %add3A_212, %mul3A_211 : vector<16xi32>
        %add3A_214 = arith.addi %add3A_213, %get3A_208 : vector<16xi32>
        %gather3A = tpu.vector_load_idx %arg7[%add3A_214] : memref<65536xf32, #tpu.memory_space<vmem>>[vector<16xi32>], vector<16xf32>,
        %gather3A_215 = tpu.vector_load_idx %arg10[%get3A_208] : memref<128xf32, #tpu.memory_space<vmem>>[vector<16xi32>], vector<16xf32>,
        %mul3A_216 = arith.constant 17 : i32
        %mul3A_217 = vector.broadcast %mul3A_216 : i32 to vector<16xi32>
        %mul3A_218 = arith.muli %add3A_203, %mul3A_217 : vector<16xi32>
        %gather3A_219 = tpu.vector_load_idx %arg11[%mul3A_218] : memref<4352xf32, #tpu.memory_space<vmem>>[vector<16xi32>], vector<16xf32>,
        %mul3A_220 = arith.constant 17 : i32
        %mul3A_221 = vector.broadcast %mul3A_220 : i32 to vector<16xi32>
        %mul3A_222 = arith.muli %add3A_203, %mul3A_221 : vector<16xi32>
        %gather3A_223 = tpu.vector_load_idx %arg12[%mul3A_222] : memref<4352xf32, #tpu.memory_space<vmem>>[vector<16xi32>], vector<16xf32>,
        %add3A_224 = arith.addi %mul3A_181, %select_n3A_177 : i32
        %mul3A_225 = arith.constant 16 : i32
        %mul3A_226 = arith.muli %scan3A_197, %mul3A_225 : i32
        %add3A_227 = arith.addi %add3A_224, %mul3A_226 : i32
        %get3A_228 = arith.index_cast %add3A_227 : i32 to index
        %get3A_229 = tpu.vector_load %arg9[%get3A_228] {strides = array<i32>} : memref<528xi32, #tpu.memory_space<vmem>>, vector<16xi32>,
        %ne3A_230 = arith.constant 0 : i32
        %ne3A_231 = vector.broadcast %ne3A_230 : i32 to vector<16xi32>
        %ne3A_232 = arith.cmpi ne, %get3A_229, %ne3A_231 : vector<16xi32>
        %jit3A_233 = arith.constant 0.000000e+00 : f32
        %broadcast_in_dim3A_234 = vector.broadcast %jit3A_233 : f32 to vector<16xf32>
        %select_n3A_235 = arith.select %ne3A_232, %gather3A_215, %broadcast_in_dim3A_234 : vector<16xi1>, vector<16xf32>
        %bitcast3A = vector.bitcast %gather3A_223 : vector<16xf32> to vector<16xi32>
        %shift_right_arithmetic3A = arith.constant 23 : i32
        %shift_right_arithmetic3A_236 = vector.broadcast %shift_right_arithmetic3A : i32 to vector<16xi32>
        %shift_right_arithmetic3A_237 = arith.shrsi %bitcast3A, %shift_right_arithmetic3A_236 : vector<16xi32>
        %sub3A_238 = arith.constant 127 : i32
        %sub3A_239 = vector.broadcast %sub3A_238 : i32 to vector<16xi32>
        %sub3A_240 = arith.subi %shift_right_arithmetic3A_237, %sub3A_239 : vector<16xi32>
        %and3A_241 = arith.constant 8388607 : i32
        %and3A_242 = vector.broadcast %and3A_241 : i32 to vector<16xi32>
        %and3A_243 = arith.andi %bitcast3A, %and3A_242 : vector<16xi32>
        %or3A = arith.constant 1065353216 : i32
        %or3A_244 = vector.broadcast %or3A : i32 to vector<16xi32>
        %or3A_245 = arith.ori %and3A_243, %or3A_244 : vector<16xi32>
        %bitcast3A_246 = vector.bitcast %or3A_245 : vector<16xi32> to vector<16xf32>
        %gt3A = arith.constant 1.41421354 : f32
        %gt3A_247 = vector.broadcast %gt3A : f32 to vector<16xf32>
        %gt3A_248 = arith.cmpf ogt, %bitcast3A_246, %gt3A_247 : vector<16xf32>
        %mul3A_249 = arith.constant 5.000000e-01 : f32
        %mul3A_250 = vector.broadcast %mul3A_249 : f32 to vector<16xf32>
        %mul3A_251 = arith.mulf %bitcast3A_246, %mul3A_250 : vector<16xf32>
        %select_n3A_252 = arith.select %gt3A_248, %mul3A_251, %bitcast3A_246 : vector<16xi1>, vector<16xf32>
        %add3A_253 = arith.constant 1 : i32
        %add3A_254 = vector.broadcast %add3A_253 : i32 to vector<16xi32>
        %add3A_255 = arith.addi %sub3A_240, %add3A_254 : vector<16xi32>
        %select_n3A_256 = arith.select %gt3A_248, %add3A_255, %sub3A_240 : vector<16xi1>, vector<16xi32>
        %sub3A_257 = arith.constant 1.000000e+00 : f32
        %sub3A_258 = vector.broadcast %sub3A_257 : f32 to vector<16xf32>
        %sub3A_259 = arith.subf %select_n3A_252, %sub3A_258 : vector<16xf32>
        %add3A_260 = arith.constant 1.000000e+00 : f32
        %add3A_261 = vector.broadcast %add3A_260 : f32 to vector<16xf32>
        %add3A_262 = arith.addf %select_n3A_252, %add3A_261 : vector<16xf32>
        %div3A_263 = arith.divf %sub3A_259, %add3A_262 : vector<16xf32>
        %mul3A_264 = arith.mulf %div3A_263, %div3A_263 : vector<16xf32>
        %mul3A_265 = arith.constant 0.222222224 : f32
        %mul3A_266 = vector.broadcast %mul3A_265 : f32 to vector<16xf32>
        %mul3A_267 = arith.mulf %mul3A_264, %mul3A_266 : vector<16xf32>
        %add3A_268 = arith.constant 0.285714298 : f32
        %add3A_269 = vector.broadcast %add3A_268 : f32 to vector<16xf32>
        %add3A_270 = arith.addf %add3A_269, %mul3A_267 : vector<16xf32>
        %mul3A_271 = arith.mulf %mul3A_264, %add3A_270 : vector<16xf32>
        %add3A_272 = arith.constant 4.000000e-01 : f32
        %add3A_273 = vector.broadcast %add3A_272 : f32 to vector<16xf32>
        %add3A_274 = arith.addf %add3A_273, %mul3A_271 : vector<16xf32>
        %mul3A_275 = arith.mulf %mul3A_264, %add3A_274 : vector<16xf32>
        %add3A_276 = arith.constant 0.666666686 : f32
        %add3A_277 = vector.broadcast %add3A_276 : f32 to vector<16xf32>
        %add3A_278 = arith.addf %add3A_277, %mul3A_275 : vector<16xf32>
        %mul3A_279 = arith.mulf %mul3A_264, %add3A_278 : vector<16xf32>
        %add3A_280 = arith.constant 2.000000e+00 : f32
        %add3A_281 = vector.broadcast %add3A_280 : f32 to vector<16xf32>
        %add3A_282 = arith.addf %add3A_281, %mul3A_279 : vector<16xf32>
        %mul3A_283 = arith.mulf %div3A_263, %add3A_282 : vector<16xf32>
        %convert_element_type3A_284 = arith.sitofp %select_n3A_256 : vector<16xi32> to vector<16xf32>
        %mul3A_285 = arith.constant 0.693147182 : f32
        %mul3A_286 = vector.broadcast %mul3A_285 : f32 to vector<16xf32>
        %mul3A_287 = arith.mulf %convert_element_type3A_284, %mul3A_286 : vector<16xf32>
        %add3A_288 = arith.addf %mul3A_283, %mul3A_287 : vector<16xf32>
        %add3A_289 = arith.addf %add3A_288, %gather3A_219 : vector<16xf32>
        %sub3A_290 = arith.subf %add3A_289, %gather3A : vector<16xf32>
        %mul3A_291 = arith.mulf %select_n3A_235, %sub3A_290 : vector<16xf32>
        %add3A_292 = arith.addf %scan3A_198, %mul3A_291 : vector<16xf32>
        %add3A_293 = arith.addf %scan3A_199, %select_n3A_235 : vector<16xf32>
        scf.yield %add3A_292, %add3A_293 : vector<16xf32>, vector<16xf32>
      }
      %scan3A_189 = arith.constant 16 : i32
      %add3A_190 = arith.constant 2 : i32
      %add3A_191 = arith.addi %scan3A_131, %add3A_190 : i32
      %lt3A_192 = arith.constant 8 : i32
      %lt3A_193 = arith.cmpi slt, %add3A_191, %lt3A_192 : i32
      %convert_element_type3A_194 = arith.extui %lt3A_193 : i1 to i32
      %cond3A_195 = arith.constant 0 : i32
      %cond3A_196 = arith.cmpi ne, %convert_element_type3A_194, %cond3A_195 : i32
      scf.if %cond3A_196 {
        %add3A_197 = arith.constant 2 : i32
        %add3A_198 = arith.addi %scan3A_131, %add3A_197 : i32
        %eq3A_199 = arith.constant 0 : i32
        %eq3A_200 = arith.cmpi eq, %select_n3A_147, %eq3A_199 : i32
        %convert_element_type3A_201 = arith.extui %eq3A_200 : i1 to i32
        %cond3A_202 = arith.constant 0 : i32
        %cond3A_203 = arith.cmpi ne, %convert_element_type3A_201, %cond3A_202 : i32
        scf.if %cond3A_203 {
          %mul3A_209 = arith.constant 256 : i32
          %mul3A_210 = arith.muli %add3A_198, %mul3A_209 : i32
          %add3A_211 = arith.addi %mul3A_2, %mul3A_210 : i32
          %add3A_212 = arith.addi %add3A_211, %select_n3A : i32
          %add3A_213 = arith.constant 1 : i32
          %add3A_214 = arith.addi %add3A_212, %add3A_213 : i32
          %jit3A_215 = arith.constant 8 : i32
          %div3A_216 = arith.divsi %add3A_214, %jit3A_215 : i32
          %sign3A_217 = arith.constant 0 : i32
          %sign3A_218 = arith.cmpi sgt, %add3A_214, %sign3A_217 : i32
          %sign3A_219 = arith.extui %sign3A_218 : i1 to i32
          %sign3A_220 = arith.constant 0 : i32
          %sign3A_221 = arith.cmpi slt, %add3A_214, %sign3A_220 : i32
          %sign3A_222 = arith.extui %sign3A_221 : i1 to i32
          %sign3A_223 = arith.subi %sign3A_219, %sign3A_222 : i32
          %sign3A_224 = arith.constant 0 : i32
          %sign3A_225 = arith.cmpi sgt, %jit3A_215, %sign3A_224 : i32
          %sign3A_226 = arith.extui %sign3A_225 : i1 to i32
          %sign3A_227 = arith.constant 0 : i32
          %sign3A_228 = arith.cmpi slt, %jit3A_215, %sign3A_227 : i32
          %sign3A_229 = arith.extui %sign3A_228 : i1 to i32
          %sign3A_230 = arith.subi %sign3A_226, %sign3A_229 : i32
          %ne3A_231 = arith.cmpi ne, %sign3A_223, %sign3A_230 : i32
          %rem3A_232 = arith.remsi %add3A_214, %jit3A_215 : i32
          %ne3A_233 = arith.constant 0 : i32
          %ne3A_234 = arith.cmpi ne, %rem3A_232, %ne3A_233 : i32
          %and3A_235 = arith.andi %ne3A_231, %ne3A_234 : i1
          %sub3A_236 = arith.constant 1 : i32
          %sub3A_237 = arith.subi %div3A_216, %sub3A_236 : i32
          %select_n3A_238 = arith.select %and3A_235, %sub3A_237, %div3A_216 : i32
          %mul3A_239 = arith.constant 8 : i32
          %mul3A_240 = arith.muli %select_n3A_238, %mul3A_239 : i32
          %multiple_of3A_241 = tpu.assume_multiple %mul3A_240, 8 : i32
          %mul3A_242 = arith.constant 128 : i32
          %mul3A_243 = arith.muli %add3A_211, %mul3A_242 : i32
          %dma_start3A_244 = arith.constant 0 : i32
          %dma_start3A_245 = tpu.memref_slice %arg7[%dma_start3A_244] : memref<65536xf32, #tpu.memory_space<vmem>> -> memref<32768xf32, #tpu.memory_space<vmem>>
          %dma_start3A_246 = tpu.memref_slice %arg2[%mul3A_243] : memref<8388608xf32, #tpu.memory_space<hbm>> -> memref<32768xf32, #tpu.memory_space<hbm>>
          %dma_start3A_247 = arith.constant 0 : i32
          %dma_start3A_248 = tpu.memref_slice %arg7[%dma_start3A_247] : memref<65536xf32, #tpu.memory_space<vmem>> -> memref<32768xf32, #tpu.memory_space<vmem>>
          %dma_start3A_249 = tpu.memref_slice %arg2[%mul3A_243] : memref<8388608xf32, #tpu.memory_space<hbm>> -> memref<32768xf32, #tpu.memory_space<hbm>>
          tpu.enqueue_dma source(%dma_start3A_249 : memref<32768xf32, #tpu.memory_space<hbm>>) target(%dma_start3A_248 : memref<32768xf32, #tpu.memory_space<vmem>>) target_semaphore(%arg15 : memref<!tpu.dma_semaphore, #tpu.memory_space<semaphore_mem>>)
          %dma_start3A_250 = arith.constant 0 : i32
          %dma_start3A_251 = tpu.memref_slice %arg8[%dma_start3A_250] : memref<528xi32, #tpu.memory_space<vmem>> -> memref<264xi32, #tpu.memory_space<vmem>>
          %dma_start3A_252 = tpu.memref_slice %arg3[%multiple_of3A_241] : memref<65552xi32, #tpu.memory_space<hbm>> -> memref<264xi32, #tpu.memory_space<hbm>>
          %dma_start3A_253 = arith.constant 0 : i32
          %dma_start3A_254 = tpu.memref_slice %arg8[%dma_start3A_253] : memref<528xi32, #tpu.memory_space<vmem>> -> memref<264xi32, #tpu.memory_space<vmem>>
          %dma_start3A_255 = tpu.memref_slice %arg3[%multiple_of3A_241] : memref<65552xi32, #tpu.memory_space<hbm>> -> memref<264xi32, #tpu.memory_space<hbm>>
          tpu.enqueue_dma source(%dma_start3A_255 : memref<264xi32, #tpu.memory_space<hbm>>) target(%dma_start3A_254 : memref<264xi32, #tpu.memory_space<vmem>>) target_semaphore(%arg15 : memref<!tpu.dma_semaphore, #tpu.memory_space<semaphore_mem>>)
          %dma_start3A_256 = arith.constant 0 : i32
          %dma_start3A_257 = tpu.memref_slice %arg9[%dma_start3A_256] : memref<528xi32, #tpu.memory_space<vmem>> -> memref<264xi32, #tpu.memory_space<vmem>>
          %dma_start3A_258 = tpu.memref_slice %arg4[%multiple_of3A_241] : memref<65552xi32, #tpu.memory_space<hbm>> -> memref<264xi32, #tpu.memory_space<hbm>>
          %dma_start3A_259 = arith.constant 0 : i32
          %dma_start3A_260 = tpu.memref_slice %arg9[%dma_start3A_259] : memref<528xi32, #tpu.memory_space<vmem>> -> memref<264xi32, #tpu.memory_space<vmem>>
          %dma_start3A_261 = tpu.memref_slice %arg4[%multiple_of3A_241] : memref<65552xi32, #tpu.memory_space<hbm>> -> memref<264xi32, #tpu.memory_space<hbm>>
          tpu.enqueue_dma source(%dma_start3A_261 : memref<264xi32, #tpu.memory_space<hbm>>) target(%dma_start3A_260 : memref<264xi32, #tpu.memory_space<vmem>>) target_semaphore(%arg15 : memref<!tpu.dma_semaphore, #tpu.memory_space<semaphore_mem>>)
        } else {
        }
        %ne3A_204 = arith.constant 0 : i32
        %ne3A_205 = arith.cmpi ne, %select_n3A_147, %ne3A_204 : i32
        %convert_element_type3A_206 = arith.extui %ne3A_205 : i1 to i32
        %cond3A_207 = arith.constant 0 : i32
        %cond3A_208 = arith.cmpi ne, %convert_element_type3A_206, %cond3A_207 : i32
        scf.if %cond3A_208 {
          %mul3A_209 = arith.constant 256 : i32
          %mul3A_210 = arith.muli %add3A_198, %mul3A_209 : i32
          %add3A_211 = arith.addi %mul3A_2, %mul3A_210 : i32
          %add3A_212 = arith.addi %add3A_211, %select_n3A : i32
          %add3A_213 = arith.constant 1 : i32
          %add3A_214 = arith.addi %add3A_212, %add3A_213 : i32
          %jit3A_215 = arith.constant 8 : i32
          %div3A_216 = arith.divsi %add3A_214, %jit3A_215 : i32
          %sign3A_217 = arith.constant 0 : i32
          %sign3A_218 = arith.cmpi sgt, %add3A_214, %sign3A_217 : i32
          %sign3A_219 = arith.extui %sign3A_218 : i1 to i32
          %sign3A_220 = arith.constant 0 : i32
          %sign3A_221 = arith.cmpi slt, %add3A_214, %sign3A_220 : i32
          %sign3A_222 = arith.extui %sign3A_221 : i1 to i32
          %sign3A_223 = arith.subi %sign3A_219, %sign3A_222 : i32
          %sign3A_224 = arith.constant 0 : i32
          %sign3A_225 = arith.cmpi sgt, %jit3A_215, %sign3A_224 : i32
          %sign3A_226 = arith.extui %sign3A_225 : i1 to i32
          %sign3A_227 = arith.constant 0 : i32
          %sign3A_228 = arith.cmpi slt, %jit3A_215, %sign3A_227 : i32
          %sign3A_229 = arith.extui %sign3A_228 : i1 to i32
          %sign3A_230 = arith.subi %sign3A_226, %sign3A_229 : i32
          %ne3A_231 = arith.cmpi ne, %sign3A_223, %sign3A_230 : i32
          %rem3A_232 = arith.remsi %add3A_214, %jit3A_215 : i32
          %ne3A_233 = arith.constant 0 : i32
          %ne3A_234 = arith.cmpi ne, %rem3A_232, %ne3A_233 : i32
          %and3A_235 = arith.andi %ne3A_231, %ne3A_234 : i1
          %sub3A_236 = arith.constant 1 : i32
          %sub3A_237 = arith.subi %div3A_216, %sub3A_236 : i32
          %select_n3A_238 = arith.select %and3A_235, %sub3A_237, %div3A_216 : i32
          %mul3A_239 = arith.constant 8 : i32
          %mul3A_240 = arith.muli %select_n3A_238, %mul3A_239 : i32
          %multiple_of3A_241 = tpu.assume_multiple %mul3A_240, 8 : i32
          %mul3A_242 = arith.constant 128 : i32
          %mul3A_243 = arith.muli %add3A_211, %mul3A_242 : i32
          %dma_start3A_244 = arith.constant 32768 : i32
          %dma_start3A_245 = tpu.memref_slice %arg7[%dma_start3A_244] : memref<65536xf32, #tpu.memory_space<vmem>> -> memref<32768xf32, #tpu.memory_space<vmem>>
          %dma_start3A_246 = tpu.memref_slice %arg2[%mul3A_243] : memref<8388608xf32, #tpu.memory_space<hbm>> -> memref<32768xf32, #tpu.memory_space<hbm>>
          %dma_start3A_247 = arith.constant 32768 : i32
          %dma_start3A_248 = tpu.memref_slice %arg7[%dma_start3A_247] : memref<65536xf32, #tpu.memory_space<vmem>> -> memref<32768xf32, #tpu.memory_space<vmem>>
          %dma_start3A_249 = tpu.memref_slice %arg2[%mul3A_243] : memref<8388608xf32, #tpu.memory_space<hbm>> -> memref<32768xf32, #tpu.memory_space<hbm>>
          tpu.enqueue_dma source(%dma_start3A_249 : memref<32768xf32, #tpu.memory_space<hbm>>) target(%dma_start3A_248 : memref<32768xf32, #tpu.memory_space<vmem>>) target_semaphore(%arg16 : memref<!tpu.dma_semaphore, #tpu.memory_space<semaphore_mem>>)
          %dma_start3A_250 = arith.constant 264 : i32
          %dma_start3A_251 = tpu.memref_slice %arg8[%dma_start3A_250] : memref<528xi32, #tpu.memory_space<vmem>> -> memref<264xi32, #tpu.memory_space<vmem>>
          %dma_start3A_252 = tpu.memref_slice %arg3[%multiple_of3A_241] : memref<65552xi32, #tpu.memory_space<hbm>> -> memref<264xi32, #tpu.memory_space<hbm>>
          %dma_start3A_253 = arith.constant 264 : i32
          %dma_start3A_254 = tpu.memref_slice %arg8[%dma_start3A_253] : memref<528xi32, #tpu.memory_space<vmem>> -> memref<264xi32, #tpu.memory_space<vmem>>
          %dma_start3A_255 = tpu.memref_slice %arg3[%multiple_of3A_241] : memref<65552xi32, #tpu.memory_space<hbm>> -> memref<264xi32, #tpu.memory_space<hbm>>
          tpu.enqueue_dma source(%dma_start3A_255 : memref<264xi32, #tpu.memory_space<hbm>>) target(%dma_start3A_254 : memref<264xi32, #tpu.memory_space<vmem>>) target_semaphore(%arg16 : memref<!tpu.dma_semaphore, #tpu.memory_space<semaphore_mem>>)
          %dma_start3A_256 = arith.constant 264 : i32
          %dma_start3A_257 = tpu.memref_slice %arg9[%dma_start3A_256] : memref<528xi32, #tpu.memory_space<vmem>> -> memref<264xi32, #tpu.memory_space<vmem>>
          %dma_start3A_258 = tpu.memref_slice %arg4[%multiple_of3A_241] : memref<65552xi32, #tpu.memory_space<hbm>> -> memref<264xi32, #tpu.memory_space<hbm>>
          %dma_start3A_259 = arith.constant 264 : i32
          %dma_start3A_260 = tpu.memref_slice %arg9[%dma_start3A_259] : memref<528xi32, #tpu.memory_space<vmem>> -> memref<264xi32, #tpu.memory_space<vmem>>
          %dma_start3A_261 = tpu.memref_slice %arg4[%multiple_of3A_241] : memref<65552xi32, #tpu.memory_space<hbm>> -> memref<264xi32, #tpu.memory_space<hbm>>
          tpu.enqueue_dma source(%dma_start3A_261 : memref<264xi32, #tpu.memory_space<hbm>>) target(%dma_start3A_260 : memref<264xi32, #tpu.memory_space<vmem>>) target_semaphore(%arg16 : memref<!tpu.dma_semaphore, #tpu.memory_space<semaphore_mem>>)
        } else {
        }
      } else {
      }
      scf.yield %scan3A_188#0, %scan3A_188#1 : vector<16xf32>, vector<16xf32>
    }
    %scan3A_126 = arith.constant 8 : i32
    %swap3A = arith.constant 0 : index
    %swap3A_127 = tpu.vector_load %arg13[%swap3A] {strides = array<i32>} : memref<16xf32, #tpu.memory_space<vmem>>, vector<16xf32>,
    tpu.vector_store %arg13[%swap3A], %scan3A_125#0 {strides = array<i32>} : memref<16xf32, #tpu.memory_space<vmem>>, vector<16xf32>,
    %swap3A_128 = arith.constant 0 : index
    %swap3A_129 = tpu.vector_load %arg14[%swap3A_128] {strides = array<i32>} : memref<16xf32, #tpu.memory_space<vmem>>, vector<16xf32>,
    tpu.vector_store %arg14[%swap3A_128], %scan3A_125#1 {strides = array<i32>} : memref<16xf32, #tpu.memory_space<vmem>>, vector<16xf32>,
    %run_scoped3A = arith.constant 0 : i32
    "tpu.region"() ({
      %run_scoped3A_131 = tpu.sem_alloc : memref<!tpu.dma_semaphore, #tpu.memory_space<semaphore_mem>>
      %dma_start3A_132 = arith.constant 0 : i32
      %dma_start3A_133 = tpu.memref_slice %arg6[%run_scoped3A, %add3A, %dma_start3A_132] : memref<2x32x16xf32, #tpu.memory_space<hbm>> -> memref<1x1x16xf32, #tpu.memory_space<hbm>>
      %dma_start3A_134 = tpu.memref_squeeze %dma_start3A_133 : memref<1x1x16xf32, #tpu.memory_space<hbm>> -> memref<16xf32, #tpu.memory_space<hbm>>
      %dma_start3A_135 = arith.constant 0 : i32
      %dma_start3A_136 = tpu.memref_slice %arg6[%run_scoped3A, %add3A, %dma_start3A_135] : memref<2x32x16xf32, #tpu.memory_space<hbm>> -> memref<1x1x16xf32, #tpu.memory_space<hbm>>
      %dma_start3A_137 = tpu.memref_squeeze %dma_start3A_136 : memref<1x1x16xf32, #tpu.memory_space<hbm>> -> memref<16xf32, #tpu.memory_space<hbm>>
      tpu.enqueue_dma source(%arg13 : memref<16xf32, #tpu.memory_space<vmem>>) target(%dma_start3A_137 : memref<16xf32, #tpu.memory_space<hbm>>) target_semaphore(%run_scoped3A_131 : memref<!tpu.dma_semaphore, #tpu.memory_space<semaphore_mem>>)
      %dma_wait3A = arith.constant 0 : i32
      %dma_wait3A_138 = tpu.memref_slice %arg6[%run_scoped3A, %add3A, %dma_wait3A] : memref<2x32x16xf32, #tpu.memory_space<hbm>> -> memref<1x1x16xf32, #tpu.memory_space<hbm>>
      %dma_wait3A_139 = tpu.memref_squeeze %dma_wait3A_138 : memref<1x1x16xf32, #tpu.memory_space<hbm>> -> memref<16xf32, #tpu.memory_space<hbm>>
      %dma_wait3A_140 = arith.constant 0 : i32
      %dma_wait3A_141 = tpu.memref_slice %arg6[%run_scoped3A, %add3A, %dma_wait3A_140] : memref<2x32x16xf32, #tpu.memory_space<hbm>> -> memref<1x1x16xf32, #tpu.memory_space<hbm>>
      %dma_wait3A_142 = tpu.memref_squeeze %dma_wait3A_141 : memref<1x1x16xf32, #tpu.memory_space<hbm>> -> memref<16xf32, #tpu.memory_space<hbm>>
      tpu.wait_dma2 semaphore(%run_scoped3A_131 : memref<!tpu.dma_semaphore, #tpu.memory_space<semaphore_mem>>) src(%arg13 : memref<16xf32, #tpu.memory_space<vmem>>) dst(%dma_wait3A_142 : memref<16xf32, #tpu.memory_space<hbm>>)
      tpu.yield
    }) : () -> ()
    %run_scoped3A_130 = arith.constant 1 : i32
    "tpu.region"() ({
      %run_scoped3A_131 = tpu.sem_alloc : memref<!tpu.dma_semaphore, #tpu.memory_space<semaphore_mem>>
      %dma_start3A_132 = arith.constant 0 : i32
      %dma_start3A_133 = tpu.memref_slice %arg6[%run_scoped3A_130, %add3A, %dma_start3A_132] : memref<2x32x16xf32, #tpu.memory_space<hbm>> -> memref<1x1x16xf32, #tpu.memory_space<hbm>>
      %dma_start3A_134 = tpu.memref_squeeze %dma_start3A_133 : memref<1x1x16xf32, #tpu.memory_space<hbm>> -> memref<16xf32, #tpu.memory_space<hbm>>
      %dma_start3A_135 = arith.constant 0 : i32
      %dma_start3A_136 = tpu.memref_slice %arg6[%run_scoped3A_130, %add3A, %dma_start3A_135] : memref<2x32x16xf32, #tpu.memory_space<hbm>> -> memref<1x1x16xf32, #tpu.memory_space<hbm>>
      %dma_start3A_137 = tpu.memref_squeeze %dma_start3A_136 : memref<1x1x16xf32, #tpu.memory_space<hbm>> -> memref<16xf32, #tpu.memory_space<hbm>>
      tpu.enqueue_dma source(%arg14 : memref<16xf32, #tpu.memory_space<vmem>>) target(%dma_start3A_137 : memref<16xf32, #tpu.memory_space<hbm>>) target_semaphore(%run_scoped3A_131 : memref<!tpu.dma_semaphore, #tpu.memory_space<semaphore_mem>>)
      %dma_wait3A = arith.constant 0 : i32
      %dma_wait3A_138 = tpu.memref_slice %arg6[%run_scoped3A_130, %add3A, %dma_wait3A] : memref<2x32x16xf32, #tpu.memory_space<hbm>> -> memref<1x1x16xf32, #tpu.memory_space<hbm>>
      %dma_wait3A_139 = tpu.memref_squeeze %dma_wait3A_138 : memref<1x1x16xf32, #tpu.memory_space<hbm>> -> memref<16xf32, #tpu.memory_space<hbm>>
      %dma_wait3A_140 = arith.constant 0 : i32
      %dma_wait3A_141 = tpu.memref_slice %arg6[%run_scoped3A_130, %add3A, %dma_wait3A_140] : memref<2x32x16xf32, #tpu.memory_space<hbm>> -> memref<1x1x16xf32, #tpu.memory_space<hbm>>
      %dma_wait3A_142 = tpu.memref_squeeze %dma_wait3A_141 : memref<1x1x16xf32, #tpu.memory_space<hbm>> -> memref<16xf32, #tpu.memory_space<hbm>>
      tpu.wait_dma2 semaphore(%run_scoped3A_131 : memref<!tpu.dma_semaphore, #tpu.memory_space<semaphore_mem>>) src(%arg14 : memref<16xf32, #tpu.memory_space<vmem>>) dst(%dma_wait3A_142 : memref<16xf32, #tpu.memory_space<hbm>>)
      tpu.yield
    }) : () -> ()
    return
  }
}

</mosaic_0001>

<sc_bundles>
// kernel: kernel.3.cloned.1.call-start
scs
__scs_entry_jumppad:
0x0: {  	(pc) =	sbr.rel $0x88, $3  }
0x1: {  	(tag) =	ssettag $0x0;
	lr =	simm.s32 $0x1  }
0x2: {  	[smem:$0x3F9D] =	sst lr;
	_ =	strace $0xD0000000  }
0x3: {  	_ = 	snop  }
0x4: {  	_ = 	snop  }
0x5: {  	_ = 	snop  }
0x6: {  	_ = 	snop  }
0x7: {  	_ = 	snop  }
__scs_overlays_trampoline_lowered:
0x8: {  	[smem:$0x3FAC] =	sst s0  }
0x9: {  	[smem:$0x3FAD] =	sst s1  }
0xa: {  	[smem:$0x3FAE] =	sst s2  }
0xb: {  	[smem:$0x3FAF] =	sst s3  }
0xc: {  	[smem:$0x3FB0] =	sst s4  }
0xd: {  	[smem:$0x3FB1] =	sst s5  }
0xe: {  	[smem:$0x3FB2] =	sst s6  }
0xf: {  	[smem:$0x3FB3] =	sst s7  }
0x10: {  	[smem:$0x3FB4] =	sst s8  }
0x11: {  	[smem:$0x3FB5] =	sst s9;
	s0 =	simm.s32 @!p0 $0x0  }
0x12: {  	s1 =	sld [smem:$0x3F9B];
	s0 =	simm.s32 @p0 $0x1  }
0x13: {  	[smem:$0x3FB6] =	sst s0;
	s0 =	simm.s32 @!p1 $0x0  }
0x14: {  	s2 =	sld [smem:$0x3F9A];
	s0 =	simm.s32 @p1 $0x1  }
0x15: {  	[smem:$0x3FB7] =	sst s0;
	s0 =	simm.s32 @!p2 $0x0  }
0x16: {  	s3 =	sld [smem:$0x3FDB];
	s0 =	simm.s32 @p2 $0x1  }
0x17: {  	s4 =	simm.s32 $0x1BF5;
	[smem:$0x3FB9] =	sst s0  }
0x18: {  	s0 =	sld [smem:$0x3F9C];
	_ =	swait.ge [sflag:s4], $0x0  }
0x19: {  	s7 =	sld [smem:$0x3F9D]  }
0x1a: {  	s8 =	sadd.s32 $0xFFFFE003, lr  }
0x1b: {  	s9 =	sadd.s32 $0xFFFFFEF7, lr;
	s5 =	simm.s32 $0xFFFFFFFF;
	p2 =	slt.u32 s8, $0xFFFFF086  }
0x1c: {  	p1 =	slt.u32 s9, $0xF7A;
	s5 =	simm.s32 @!p2 $0x0  }
0x1d: {  	s5 =	simm.s32 @p1 $0x1;
	p0 =	seq.s32 s7, s2  }
0x1e: {  	s7 =	smul.u32 @!p0 $0xF7A, s2;
	p2 =	seq.s32 @!p0 s5, $0x0  }
0x1f: {  	s9 =	smul.u32 $0xF7A, s1;
	s8 =	simm.s32 @!p0 $0x1BF5;
	p2 =	por !p2, p0  }
0x20: {  	[sflag:s8] =	ssyncset.s32 @!p0 $0xFFFFF086;
	s6 =	sadd.s32 @!p0 s3, s7;
	s7 =	simm.s32 @!p0 $0x108  }
0x21: {  	s3 =	sadd.s32 s3, s9;
	s6 =	sadd.s32 @!p0 $0x88, s6;
	s7 =	simm.s32 @p2 $0x1082  }
0x22: {  	[simem:s7], [sflag:s8] =	dma.local @!p0 [hbm:s6], $0xF7A  }
0x23: {  	s9 =	sor.u32 $0xD0000000, s2;
	s6 =	simm.s32 $0x108;
	_ =	swait.ge @!p0 [sflag:s8], $0x0  }
0x24: {  	s3 =	sadd.s32 $0x88, s3;
	s6 =	simm.s32 @!p1 $0x1082;
	[sflag:s4] =	ssyncset.s32 $0xFFFFF086  }
0x25: {  	[simem:s6], [sflag:s4] =	dma.local [hbm:s3], $0xF7A  }
0x26: {  	[smem:$0x3F9D] =	sst s1;
	(tag) =	ssettag s2;
	_ =	strace s9  }
0x27: {  	s1 =	sld [smem:$0x3FAD]  }
0x28: {  	s2 =	sld [smem:$0x3FAE]  }
0x29: {  	s4 =	sld [smem:$0x3FB0]  }
0x2a: {  	p0 =	seq.s32 s5, $0x0;
	s5 =	sld [smem:$0x3FB1]  }
0x2b: {  	s6 =	sld [smem:$0x3FB2]  }
0x2c: {  	s7 =	sld [smem:$0x3FB3]  }
0x2d: {  	s3 =	simm.s32 $0x108;
	s8 =	sld [smem:$0x3FB4]  }
0x2e: {  	s3 =	simm.s32 @!p0 $0x1082;
	s9 =	sld [smem:$0x3FB5]  }
0x2f: {  	lr =	sadd.s32 s0, s3;
	s0 =	sld [smem:$0x3FAC]  }
0x30: {  	s3 =	sld [smem:$0x3FAF]  }
0x31: {  	[smem:$0x3FB8] =	sst s10  }
0x32: {  	s10 =	sld [smem:$0x3FB6];
	_ =	sdelay $0x3  }
0x33: {  	p0 =	seq.s32 s10, $0x1;
	s10 =	sld [smem:$0x3FB8];
	_ =	sdelay $0x3  }
0x34: {  	[smem:$0x3FB8] =	sst s10  }
0x35: {  	s10 =	sld [smem:$0x3FB7];
	_ =	sdelay $0x3  }
0x36: {  	p1 =	seq.s32 s10, $0x1;
	s10 =	sld [smem:$0x3FB8];
	_ =	sdelay $0x3  }
0x37: {  	[smem:$0x3FB8] =	sst s10  }
0x38: {  	s10 =	sld [smem:$0x3FB9]  }
0x39: {  	_ = 	snop;
	(pc) =	sbr.ind lr, $3  }
0x3a: {  	_ = 	snop  }
0x3b: {  	_ = 	snop  }
0x3c: {  	p2 =	seq.s32 s10, $0x1;
	s10 =	sld [smem:$0x3FB8]  }
0x3d: {  	_ =	shalt  }
0x3e: {  	_ =	shalt  }
0x3f: {  	_ =	shalt  }
0x40: {  	_ =	shalt  }
0x41: {  	_ =	shalt  }
0x42: {  	_ =	shalt  }
0x43: {  	_ =	shalt  }
0x44: {  	_ =	shalt  }
0x45: {  	_ =	shalt  }
0x46: {  	_ =	shalt  }
0x47: {  	_ =	shalt  }
0x48: {  	_ =	shalt  }
0x49: {  	_ =	shalt  }
0x4a: {  	_ =	shalt  }
0x4b: {  	_ =	shalt  }
0x4c: {  	_ =	shalt  }
0x4d: {  	_ =	shalt  }
0x4e: {  	_ =	shalt  }
0x4f: {  	_ =	shalt  }
0x50: {  	_ =	shalt  }
0x51: {  	_ =	shalt  }
0x52: {  	_ =	shalt  }
0x53: {  	_ =	shalt  }
0x54: {  	_ =	shalt  }
0x55: {  	_ =	shalt  }
0x56: {  	_ =	shalt  }
0x57: {  	_ =	shalt  }
0x58: {  	_ =	shalt  }
0x59: {  	_ =	shalt  }
0x5a: {  	_ =	shalt  }
0x5b: {  	_ =	shalt  }
0x5c: {  	_ =	shalt  }
0x5d: {  	_ =	shalt  }
0x5e: {  	_ =	shalt  }
0x5f: {  	_ =	shalt  }
0x60: {  	_ =	shalt  }
0x61: {  	_ =	shalt  }
0x62: {  	_ =	shalt  }
0x63: {  	_ =	shalt  }
0x64: {  	_ =	shalt  }
0x65: {  	_ =	shalt  }
0x66: {  	_ =	shalt  }
0x67: {  	_ =	shalt  }
0x68: {  	_ =	shalt  }
0x69: {  	_ =	shalt  }
0x6a: {  	_ =	shalt  }
0x6b: {  	_ =	shalt  }
0x6c: {  	_ =	shalt  }
0x6d: {  	_ =	shalt  }
0x6e: {  	_ =	shalt  }
0x6f: {  	_ =	shalt  }
0x70: {  	_ =	shalt  }
0x71: {  	_ =	shalt  }
0x72: {  	_ =	shalt  }
0x73: {  	_ =	shalt  }
0x74: {  	_ =	shalt  }
0x75: {  	_ =	shalt  }
0x76: {  	_ =	shalt  }
0x77: {  	_ =	shalt  }
0x78: {  	_ =	shalt  }
0x79: {  	_ =	shalt  }
0x7a: {  	_ =	shalt  }
0x7b: {  	_ =	shalt  }
0x7c: {  	_ =	shalt  }
0x7d: {  	_ =	shalt  }
0x7e: {  	_ =	shalt  }
0x7f: {  	_ =	shalt  }
0x80: {  	_ =	shalt  }
0x81: {  	_ =	shalt  }
0x82: {  	_ =	shalt  }
0x83: {  	_ =	shalt  }
0x84: {  	_ =	shalt  }
0x85: {  	_ =	shalt  }
0x86: {  	_ =	shalt  }
0x87: {  	_ =	shalt  }
.Lfunc_end0:
.L_simem_size_0:
called_computation_lowered:
.L_overlay_start_0:
0x88: {  	s2 =	sld [smem:$0x3FD9]  }
0x89: {  	s3 =	sld [smem:$0x3FFE];
	_ =	sdelay $0x1  }
0x8a: {  	s1 =	srdreg.scid  }
0x8b: {  	s0 =	sand.u32 $0x1, s1  }
0x8c: {  	s17 =	sshll.u32 s0, $0xA;
	s2 =	sadd.s32 s3, s2  }
0x8d: {  	s2 =	sadd.s32 s2, s17  }
0x8e: {  	[smem:$0x3FC4] =	sst s2  }
0x8f: {  	_ = 	snop  }
0x90: {  	s2 =	sld [smem:$0x3FC9]  }
0x91: {  	s18 =	sld [smem:$0x3FC6];
	(tm) =	ssettm $0x1  }
0x92: {  	s4 =	sld [smem:$0x3FFB];
	_ =	sdelay $0x3  }
0x93: {  	_ =	strace s4  }
0x94: {  	s4 =	sld [smem:$0x3FFC];
	_ =	sdelay $0x3  }
0x95: {  	_ =	strace s4  }
0x96: {  	s4 =	sld [smem:$0x3FFD];
	_ =	sdelay $0x3  }
0x97: {  	_ =	strace s4  }
0x98: {  	_ =	strace $0x8FFFFFFF  }
0x99: {  	s19 =	sld [smem:$0x3FDB];
	_ =	sdelay $0x1  }
0x9a: {  	s5 =	simm.s32 $_scs_section_size  }
0x9b: {  	s6 =	simm.s32 $_size__tile_overlayer_lowered;
	s7 =	simm.s32 $_tile_overlayer_lowered  }
0x9c: {  	s22 =	simm.s32 $0x1BFF;
	s21 =	sshll.u32 s7, $0x1;
	s4 =	sadd.s32 s5, s19  }
0x9d: {  	s8 =	simm.s32 $0x0;
	s20 =	sshll.u32 s6, $0x1;
	s6 =	sadd.s32 s21, s4  }
0x9e: {  	[timem:s8], [sflag:s22] =	dma.local [hbm:s6], s20  }
0x9f: {  	_ =	swait.ge [sflag:s22], s20  }
0xa0: {  	s5 =	ssub.s32 $0x0, s20;
	[sflag:s22] =	ssyncset.done $0x0  }
0xa1: {  	[sflag:s22] =	ssyncadd.s32 s5;
	_ =	sdelay $0x1  }
0xa2: {  	s23 =	simm.s32 $0x1B8B  }
0xa3: {  	_ =	swait.ge [sflag:s23], $0x1  }
0xa4: {  	[sflag:s23] =	ssyncset.done $0x0  }
0xa5: {  	s25 =	simm.s32 $0x1B8E;
	s24 =	sld [smem:$0x3FFE];
	[sflag:s23] =	ssyncadd.s32 $0xFFFFFFFF  }
0xa6: {  	s26 =	simm.s32 $execute0_lowered;
	[smem:$0x3FD2] =	sst s25  }
0xa7: {  	s6 =	sshll.u32 s26, $0x1;
	_ =	strace $0x80000046;
	[dreg:$0x1] =	wrdreg $0xFFFFFFFF  }
0xa8: {  	s28 =	simm.s32 $_size_execute0_lowered;
	s4 =	sadd.s32 s4, s6;
	[dreg:$0x0] =	wrdreg $0x0  }
0xa9: {  	s6 =	sshll.u32 s28, $0x1;
	[dreg:$0x2] =	wrdreg s4  }
0xaa: {  	[dreg:$0x3] =	wrdreg s6  }
0xab: {  	[dreg:$0x4] =	wrdreg $0xC0  }
0xac: {  	_ =	task [dreg:s8], $0x5FFFF  }
0xad: {  	[dreg:$0x1] =	wrdreg $0xFFFFFFFF  }
0xae: {  	[dreg:$0x0] =	wrdreg $0x60  }
0xaf: {  	[dreg:$0x2] =	wrdreg s2  }
0xb0: {  	[dreg:$0x3] =	wrdreg s24  }
0xb1: {  	[dreg:$0x4] =	wrdreg s18  }
0xb2: {  	[dreg:$0x5] =	wrdreg $0x9  }
0xb3: {  	_ =	task.clear_ibuf [dreg:s8], $0x6FFFF;
	_ =	strace $0x90000046  }
0xb4: {  	s29 =	simm.s32 $0x9;
	_ =	strace $0x80000048  }
0xb5: {  	_ =	swait.ge [sflag:s29], $0x1  }
0xb6: {  	[sflag:s29] =	ssyncadd.s32 $0xFFFFFFFF  }
0xb7: {  	_ =	strace $0x90000048  }
0xb8: {  	_ =	sfence  }
0xb9: {  	s30 =	sld [smem:$0x0];
	_ =	sdelay $0x2  }
0xba: {  	s31 =	sshll.u32 s1, $0xD;
	s1 =	sshrl.u32 s1, $0x2  }
0xbb: {  	s3 =	sand.u32 $0x4000, s31;
	s1 =	sadd.s32 s1, s30  }
0xbc: {  	s0 =	sor.u32 s3, s0;
	s1 =	sshll.u32 s1, $0x11  }
0xbd: {  	s0 =	sor.u32 s1, s0  }
0xbe: {  	s0 =	sadd.s32 $0x8F2B, s0  }
0xbf: {  	[sflag:s0] =	ssyncadd.remote.s32 $0x1  }
0xc0: {  	_ =	sfence.sel $0xFFFF  }
0xc1: {  	[dreg:$0x0] =	wrdreg $0xFFFFFFFF;
	(pc) =	sbr.abs _section_cstart, $3  }
0xc2: {  	[dreg:$0x1] =	wrdreg $0xFFFFFFFF  }
0xc3: {  	_ =	task.clear_ibuf [dreg:s8], $0x2FFFF;
	_ =	strace $0x9FFFFFFF  }
0xc4: {  	(tm) =	ssettm $0x7FFFFFFF  }
0xc5: {  	_ =	shalt  }
tec
execute0_lowered:
.L_overlay_start_1:
0x0: {  	(tag) =	ssettag $0x1  }
0x1: {  	s0 =	srdreg.scid  }
0x2: {  	s5 =	stileid.u32;
	s3 =	simm.s32 $0x1;
	s4 =	rddreg [dreg:$0x1]  }
0x3: {  	s11 =	simm.s32 $0x1;
	s28 =	simm.s32 $0x3;
	s29 =	simm.s32 $0x10580  }
0x4: {  	s30 =	simm.s32 $0x11680;
	s0 =	sand.u32 $0x1, s0;
	s1 =	sshll.u32 s5, $0x1  }
0x5: {  	s2 =	sor.u32 s0, s1;
	p1 =	seq.s32 s0, $0x1;
	s1 =	rddreg [dreg:$0x0]  }
0x6: {  	s0 =	ssub.s32 $0x2, s0;
	p0 =	seq.s32 s2, $0x0;
	s8 =	sshll.u32 s2, $0xB  }
0x7: {  	s10 =	sshll.u32 s2, $0x4;
	s22 =	sshrl.u32 s0, $0x1;
	p0 =	por !p0, !p1  }
0x8: {  	s2 =	sshll.u32 s2, $0xF;
	s0 =	ssub.s32 s0, s22;
	p0 =	por !p0, !p0  }
0x9: {  	s2 =	sadd.s32 s1, s2;
	s23 =	sor.u32 $0x100, s8;
	s3 =	simm.s32 @!p0 $0x0  }
0xa: {  	s18 =	sor.u32 $0x200, s8;
	s17 =	smax.u32 s0, $0x1;
	s3 =	ssub.s32 s5, s3  }
0xb: {  	s0 =	simm.s32 $0x0;
	s5 =	simm.s32 $0x0;
	s6 =	sadd.s32 s8, s3  }
0xc: {  	[smem:$0x7FF] =	sst s5;
	s24 =	sadd.s32 $0x1, s3;
	s9 =	sadd.s32 $0x1, s6  }
0xd: {  	_ =	strace $0x80000047;
	p5 =	sgt.u32 s6, $0x7FFFFFFE;
	s7 =	sand.u32 $0x7, s9  }
0xe: {  	s6 =	sadd.s32 $0x200, s4;
	[dreg:$0x4] =	wrdreg s2;
	p6 =	sne.s32 s7, $0x0  }
0xf: {  	s26 =	sadd.s32 s23, s24;
	s2 =	sshll.u32 s23, $0x4;
	p0 =	por !p5, !p6  }
0x10: {  	s14 =	sand.u32 $0x7, s24;
	s9 =	sshrl.u32 s9, $0x3;
	p0 =	por !p0, !p0  }
0x11: {  	s31 =	sshrl.u32 s26, $0x3;
	s19 =	sor.u32 $0x10000, s14;
	s11 =	simm.s32 @!p0 $0x0  }
0x12: {  	s20 =	sor.u32 $0x10280, s14;
	s26 =	simm.s32 $0x10500;
	s9 =	ssub.s32 s9, s11  }
0x13: {  	s7 =	sadd.s32 $0x2400, s4;
	s4 =	sadd.s32 s10, s4;
	s9 =	sand.u32 $0x1FFFFFFF, s9  }
0x14: {  	s12 =	sadd.s32 s6, s31;
	s13 =	sadd.s32 s7, s31;
	s25 =	sadd.s32 s6, s9  }
0x15: {  	s15 =	sadd.s32 $0x4600, s4;
	s9 =	sadd.s32 s7, s9;
	[dreg:$0x5] =	wrdreg s25  }
0x16: {  	s16 =	sadd.s32 $0x4800, s4;
	s11 =	sadd.s32 s1, s2;
	[dreg:$0x6] =	wrdreg s9  }
.LBB2_1:
0x17: {  	s2 =	rddreg [dreg:$0x4]  }
0x18: {  	[tilespmem:s5], [sflag:$0x1] =	stream.linear.gather [hbm4b:s2+s5], $0x8000, $0x38;
	[tilespmem:$0x12880] =	vst v63  }
0x19: {  	s10 =	rddreg [dreg:$0x5];
	s4 =	simm.s32 $0x10000  }
0x1a: {  	[tilespmem:s4], [sflag:$0x1] =	stream.linear.gather [hbm4b:s10+s5], $0x108, $0x38;
	[tilespmem:$0x12880] =	vst v63  }
0x1b: {  	s21 =	rddreg [dreg:$0x6];
	s22 =	simm.s32 $0x10280  }
0x1c: {  	[tilespmem:s22], [sflag:$0x1] =	stream.linear.gather [hbm4b:s21+s5], $0x108, $0x38;
	[tilespmem:$0x12880] =	vst v63  }
0x1d: {  	s23 =	simm.s32 $0x8000  }
0x1e: {  	[tilespmem:s23], [sflag:$0x2] =	stream.linear.gather [hbm4b:s11+s5], $0x8000, $0x38;
	[tilespmem:$0x12880] =	vst v63  }
0x1f: {  	s24 =	simm.s32 $0x10108  }
0x20: {  	[tilespmem:s24], [sflag:$0x2] =	stream.linear.gather [hbm4b:s12+s5], $0x108, $0x38;
	[tilespmem:$0x12880] =	vst v63  }
0x21: {  	s25 =	simm.s32 $0x10388  }
0x22: {  	[tilespmem:s25], [sflag:$0x2] =	stream.linear.gather [hbm4b:s13+s5], $0x108, $0x38;
	[tilespmem:$0x12880] =	vst v63  }
0x23: {  	s31 =	rddreg [dreg:$0x2]  }
0x24: {  	[tilespmem:s26], [sflag:$0x3] =	stream.linear.gather [hbm4b:s31+s5], $0x80, $0x38;
	[tilespmem:$0x12880] =	vst v63  }
0x25: {  	_ =	swait.ge [sflag:s28], $0x80  }
0x26: {  	[sflag:s28] =	ssyncset.done $0x0  }
0x27: {  	v2 =	vimm.f32 $0.0e+00;
	p0 =	por $0x0, $0x0;
	v3 =	vimm.f32 $0.0e+00;
	s4 =	simm.s32 $0x0;
	[sflag:s28] =	ssyncadd.s32 $0xFFFFFF80  }
.LBB2_2:
0x28: {  	s21 =	sand.u32 $0x1, s4  }
0x29: {  	s8 =	simm.s32 $0x1;
	p1 =	seq.s32 s21, $0x0  }
0x2a: {  	s8 =	simm.s32 @!p1 $0x2  }
0x2b: {  	_ =	swait.ge [sflag:s8], $0x8000  }
0x2c: {  	[sflag:s8] =	ssyncset.done $0x0  }
0x2d: {  	[sflag:s8] =	ssyncadd.s32 $0xFFFF8000  }
0x2e: {  	_ =	swait.ge [sflag:s8], $0x108  }
0x2f: {  	[sflag:s8] =	ssyncset.done $0x0  }
0x30: {  	s2 =	simm.s32 $0x1;
	[sflag:s8] =	ssyncadd.s32 $0xFFFFFEF8  }
0x31: {  	s2 =	simm.s32 @!p0 $0x0;
	_ =	swait.ge [sflag:s8], $0x108  }
0x32: {  	s9 =	smul.u32 $0x420, s2;
	s2 =	sshll.u32 s2, $0xF;
	[sflag:s8] =	ssyncset.done $0x0  }
0x33: {  	s2 =	sor.u32 $0x100, s2;
	[sflag:s8] =	ssyncadd.s32 $0xFFFFFEF8  }
0x34: {  	v4 =	vld [tilespmem:s2+$0x80]  }
0x35: {  	v6 =	vld [tilespmem:s2+$0x90]  }
0x36: {  	v7 =	vld [tilespmem:s2+$0xA0]  }
0x37: {  	v8 =	vld [tilespmem:s2+$0xB0]  }
0x38: {  	v9 =	vld [tilespmem:s2+$0xC0]  }
0x39: {  	v10 =	vld [tilespmem:s2+$0xD0]  }
0x3a: {  	v11 =	vld [tilespmem:s2+$0xE0]  }
0x3b: {  	v15 =	vld [tilespmem:s2+$0xF0];
	_ =	sdelay $0x3  }
0x3c: {  	v5 =	vmax.f32 v4, v6  }
0x3d: {  	v12 =	vmax.f32 v7, v8;
	v13 =	vmax.f32 v9, v10;
	v14 =	vmax.f32 v11, v15  }
0x3e: {  	v5 =	vmax.f32 v5, v12;
	v12 =	vmax.f32 v13, v14  }
0x3f: {  	v16 =	vld [tilespmem:s2+$0xFFFFFF10];
	v5 =	vmax.f32 v5, v12  }
0x40: {  	v17 =	vld [tilespmem:s2+$0xFFFFFF20];
	(xrf0) =	vmax.scan.msk.f32 $0xffff, v5  }
0x41: {  	v18 =	vld [tilespmem:s2+$0xFFFFFF30]  }
0x42: {  	v20 =	vld [tilespmem:s2+$0xFFFFFF40]  }
0x43: {  	v21 =	vld [tilespmem:s2+$0xFFFFFF50]  }
0x44: {  	v22 =	vld [tilespmem:s2+$0xFFFFFF60]  }
0x45: {  	v23 =	vld [tilespmem:s2+$0xFFFFFF70]  }
0x46: {  	v24 =	vld [tilespmem:s2+$0xFFFFFF80];
	v5, _, _ =	vpop (xrf0)  }
0x47: {  	v25 =	vld [tilespmem:s2+$0xFFFFFF90];
	v5 =	vadd.f32 $0.0e+00, v5  }
0x48: {  	v26 =	vld [tilespmem:s2+$0xFFFFFFA0]  }
0x49: {  	v27 =	vld [tilespmem:s2+$0xFFFFFFB0];
	v48 =	vbroadcast v5, $0xF  }
0x4a: {  	v28 =	vld [tilespmem:s2+$0xFFFFFFC0]  }
0x4b: {  	v29 =	vld [tilespmem:s2+$0xFFFFFFD0];
	v4 =	vsub.f32 v4, v48  }
0x4c: {  	v30 =	vld [tilespmem:s2+$0xFFFFFFE0];
	v6 =	vsub.f32 v6, v48  }
0x4d: {  	v31 =	vld [tilespmem:s2+$0xFFFFFFF0];
	v7 =	vsub.f32 v7, v48;
	v4 =	vmul.f32 $1.442695020e+00, v4  }
0x4e: {  	v51 =	vld [tilespmem:s2+$0x50];
	v8 =	vsub.f32 v8, v48;
	v6 =	vmul.f32 $1.442695020e+00, v6  }
0x4f: {  	v52 =	vld [tilespmem:s2+$0x60];
	v9 =	vsub.f32 v9, v48;
	v7 =	vmul.f32 $1.442695020e+00, v7;
	(erf) = vpow2.f32 v4  }
0x50: {  	v19 =	vld [tilespmem:s2+$0x70];
	v4 =	vmul.f32 $1.442695020e+00, v8;
	v8 =	vsub.f32 v10, v48;
	(erf) = vpow2.f32 v6  }
0x51: {  	v13 =	vld [tilespmem:s2+$0x20];
	v6 =	vmul.f32 $1.442695020e+00, v9;
	v9 =	vsub.f32 v11, v48;
	(erf) = vpow2.f32 v7  }
0x52: {  	v10 =	vld [tilespmem:s2+$0xFFFFFF00];
	v7 =	vmul.f32 $1.442695020e+00, v8;
	v8 =	vsub.f32 v15, v48;
	(erf) = vpow2.f32 v4  }
0x53: {  	v14 =	vld [tilespmem:s2+$0x30];
	v4 =	vmul.f32 $1.442695020e+00, v9;
	(erf) = vpow2.f32 v6  }
0x54: {  	v12 =	vld [tilespmem:s2+$0x10];
	v6 =	vmul.f32 $1.442695020e+00, v8;
	(erf) = vpow2.f32 v7  }
0x55: {  	v5 =	vld [tilespmem:s2+$0x0];
	(erf) = vpow2.f32 v4  }
0x56: {  	v15 =	vld [tilespmem:s2+$0x40];
	v7 =	vmax.f32 v22, v23;
	v4 =	vmax.f32 v20, v21;
	(erf) = vpow2.f32 v6  }
0x57: {  	v6 =	vmax.f32 v17, v18;
	v4 =	vmax.f32 v4, v7;
	v7 =	vmax.f32 v10, v16  }
0x58: {  	v35 =	vmax.f32 v30, v31;
	v37 =	vmax.f32 v52, v19;
	v6 =	vmax.f32 v7, v6  }
0x59: {  	v9 =	vmax.f32 v26, v27;
	v8 =	vmax.f32 v24, v25;
	v4 =	vmax.f32 v6, v4  }
0x5a: {  	v60 =	vmax.f32 v13, v14;
	v11 =	vmax.f32 v28, v29;
	v8 =	vmax.f32 v8, v9;
	v7 =	vpop (erf)  }
0x5b: {  	v9 =	vmax.f32 v11, v35;
	v11 =	vmax.f32 v5, v12;
	v36 =	vmax.f32 v15, v51;
	v6 =	vpop (erf)  }
0x5c: {  	v11 =	vmax.f32 v11, v60;
	v8 =	vmax.f32 v8, v9;
	v9 =	vmax.f32 v36, v37;
	(xrf0) =	vmax.scan.msk.f32 $0xffff, v4;
	v4 =	vpop (erf)  }
0x5d: {  	v9 =	vmax.f32 v11, v9;
	v38 =	vpop (erf)  }
0x5e: {  	v61 =	vpop (erf)  }
0x5f: {  	(xrf0) =	vmax.scan.msk.f32 $0xffff, v8;
	v8 =	vpop (erf)  }
0x60: {  	(xrf0) =	vmax.scan.msk.f32 $0xffff, v9;
	v9 =	vpop (erf)  }
0x61: {  	v6 =	vadd.f32 v6, v7;
	v4 =	vadd.f32 v38, v4;
	v7 =	vpop (erf)  }
0x62: {  	v8 =	vadd.f32 v8, v61;
	v7 =	vadd.f32 v7, v9  }
0x63: {  	v4 =	vadd.f32 v4, v6;
	v9, _, _ =	vpop (xrf0)  }
0x64: {  	v9 =	vadd.f32 $0.0e+00, v9;
	v6 =	vadd.f32 v7, v8;
	_ =	sdelay $0x1  }
0x65: {  	v4 =	vadd.f32 v6, v4  }
0x66: {  	v8, _, _ =	vpop (xrf0)  }
0x67: {  	s2 =	sadd.s32 $0x200, s2;
	v34 =	vbroadcast v9, $0xF;
	v8 =	vadd.f32 $0.0e+00, v8;
	v9, _, _ =	vpop (xrf0);
	(xrf2) =	vadd.scan.msk.f32 $0xffff, v4  }
0x68: {  	v62 =	vld [tilespmem:s2+$0x80];
	v6 =	vadd.f32 $0.0e+00, v9  }
0x69: {  	v41 =	vld [tilespmem:s2+$0xE0];
	v32 =	vbroadcast v8, $0xF;
	v9 =	vsub.f32 v10, v34  }
0x6a: {  	v42 =	vld [tilespmem:s2+$0xF0];
	v10 =	vsub.f32 v16, v34;
	v4 =	vsub.f32 v17, v34;
	v33 =	vbroadcast v6, $0xF  }
0x6b: {  	v63 =	vld [tilespmem:s2+$0x90];
	v16 =	vmul.f32 $1.442695020e+00, v9;
	v6 =	vsub.f32 v18, v34;
	v9 =	vsub.f32 v20, v34  }
0x6c: {  	v39 =	vld [tilespmem:s2+$0xC0];
	v17 =	vmul.f32 $1.442695020e+00, v10;
	v10 =	vsub.f32 v21, v34;
	v20 =	vmul.f32 $1.442695020e+00, v4  }
0x6d: {  	v40 =	vld [tilespmem:s2+$0xD0];
	v4 =	vsub.f32 v23, v34;
	v23 =	vmul.f32 $1.442695020e+00, v6;
	v6 =	vsub.f32 v25, v32  }
0x6e: {  	v60 =	vld [tilespmem:s2+$0xA0];
	v18 =	vsub.f32 v22, v34;
	v21 =	vsub.f32 v24, v32  }
0x6f: {  	v61 =	vld [tilespmem:s2+$0xB0];
	v22 =	vsub.f32 v26, v32;
	v26 =	vsub.f32 v30, v32;
	v30 =	vmax.f32 v41, v42  }
0x70: {  	v24 =	vmul.f32 $1.442695020e+00, v9;
	v9 =	vsub.f32 v27, v32;
	v25 =	vsub.f32 v28, v32  }
0x71: {  	v27 =	vmul.f32 $1.442695020e+00, v10;
	v10 =	vsub.f32 v29, v32;
	v44 =	vmul.f32 $1.442695020e+00, v6;
	v6, _, _ =	vpop (xrf2)  }
0x72: {  	v28 =	vmul.f32 $1.442695020e+00, v18;
	v18 =	vsub.f32 v31, v32;
	v46 =	vadd.f32 $0.0e+00, v6  }
0x73: {  	v43 =	vmul.f32 $1.442695020e+00, v21;
	v45 =	vmul.f32 $1.442695020e+00, v22;
	v21 =	vmax.f32 v62, v63  }
0x74: {  	v49 =	vld [tilespmem:s2+$0xFFFFFF10];
	v22 =	vmax.f32 v60, v61;
	v29 =	vmax.f32 v39, v40;
	v0 =	vbroadcast v46, $0xF  }
0x75: {  	(erf) = vpow2.f32 v16;
	v21 =	vmax.f32 v21, v22;
	v47 =	vmul.f32 $1.442695020e+00, v9;
	v9 =	vld [tilespmem:s2+$0xFFFFFF30]  }
0x76: {  	v22 =	vmax.f32 v29, v30;
	(erf) = vpow2.f32 v17;
	v6 =	vld [tilespmem:s2+$0xFFFFFF20];
	[tilespmem:$0x1FFE0] =	vst v0;
	v0 =	vmul.f32 $1.442695020e+00, v18  }
0x77: {  	v31 =	vmul.f32 $1.442695020e+00, v4;
	v21 =	vmax.f32 v21, v22;
	(erf) = vpow2.f32 v20  }
0x78: {  	v22 =	vmul.f32 $1.442695020e+00, v10;
	(xrf0) =	vmax.scan.msk.f32 $0xffff, v21;
	(erf) = vpow2.f32 v23;
	v10 =	vld [tilespmem:s2+$0xFFFFFF40];
	[tilespmem:$0x1FFA0] =	vst v0  }
0x79: {  	v17 =	vsub.f32 v15, v33;
	v21 =	vsub.f32 v12, v33;
	(erf) = vpow2.f32 v24;
	v12 =	vld [tilespmem:s2+$0xFFFFFF50]  }
0x7a: {  	v16 =	vsub.f32 v14, v33;
	(erf) = vpow2.f32 v27;
	v18 =	vsub.f32 v13, v33;
	v13 =	vld [tilespmem:s2+$0xFFFFFF60]  }
0x7b: {  	v20 =	vsub.f32 v52, v33;
	v52 =	vmul.f32 $1.442695020e+00, v17;
	(erf) = vpow2.f32 v28;
	v14 =	vld [tilespmem:s2+$0xFFFFFF70]  }
0x7c: {  	v29 =	vsub.f32 v5, v33;
	v50 =	vmul.f32 $1.442695020e+00, v21;
	(erf) = vpow2.f32 v31;
	v15 =	vld [tilespmem:s2+$0xFFFFFF80]  }
0x7d: {  	v30 =	vmul.f32 $1.442695020e+00, v18;
	v18 =	vsub.f32 v51, v33;
	v51 =	vmul.f32 $1.442695020e+00, v16;
	v16 =	vld [tilespmem:s2+$0xFFFFFF90]  }
0x7e: {  	(erf) = vpow2.f32 v43;
	v46 =	vmul.f32 $1.442695020e+00, v26;
	v21, _, _ =	vpop (xrf0);
	v17 =	vld [tilespmem:s2+$0xFFFFFFA0]  }
0x7f: {  	v26 =	vmul.f32 $1.442695020e+00, v29;
	v29 =	vmul.f32 $1.442695020e+00, v20;
	v23 =	vadd.f32 $0.0e+00, v21;
	v20 =	vld [tilespmem:s2+$0xFFFFFFC0]  }
0x80: {  	v25 =	vmul.f32 $1.442695020e+00, v25;
	(erf) = vpow2.f32 v44;
	v21 =	vld [tilespmem:s2+$0xFFFFFFD0]  }
0x81: {  	v43 =	vpop (erf);
	(erf) = vpow2.f32 v45;
	v31 =	vbroadcast v23, $0xF;
	v23 =	vld [tilespmem:s2+$0xFFFFFFE0]  }
0x82: {  	v56 =	vpop (erf);
	(erf) = vpow2.f32 v47;
	v7 =	vld [tilespmem:s2+$0xFFFFFFF0]  }
0x83: {  	v54 =	vsub.f32 v19, v33;
	v36 =	vpop (erf);
	v55 =	vmax.f32 v6, v9;
	(erf) = vpow2.f32 v25;
	v8 =	vld [tilespmem:s2+$0x0]  }
0x84: {  	v27 =	vsub.f32 v62, v31;
	v11 =	vld [tilespmem:s2+$0x10];
	v19 =	vmax.f32 v10, v12;
	v24 =	vmax.f32 v13, v14  }
0x85: {  	v35 =	vld [tilespmem:s2+$0x20];
	v28 =	vsub.f32 v61, v31;
	v44 =	vmax.f32 v19, v24;
	v19 =	vsub.f32 v63, v31  }
0x86: {  	v1 =	vld [tilespmem:s2+$0x40];
	v53 =	vmul.f32 $1.442695020e+00, v18;
	v24 =	vmul.f32 $1.442695020e+00, v27;
	v27 =	vsub.f32 v60, v31  }
0x87: {  	v37 =	vpop (erf);
	v39 =	vsub.f32 v39, v31;
	v0 =	vld [tilespmem:s2+$0x60];
	v28 =	vmul.f32 $1.442695020e+00, v28;
	v25 =	vmul.f32 $1.442695020e+00, v19  }
0x88: {  	v38 =	vpop (erf);
	v40 =	vsub.f32 v40, v31;
	v18 =	vld [tilespmem:s2+$0xFFFFFFB0];
	v27 =	vmul.f32 $1.442695020e+00, v27;
	(erf) = vpow2.f32 v24  }
0x89: {  	v45 =	vpop (erf);
	v41 =	vsub.f32 v41, v31;
	v4 =	vld [tilespmem:s2+$0x70];
	v39 =	vmul.f32 $1.442695020e+00, v39;
	(erf) = vpow2.f32 v25  }
0x8a: {  	v57 =	vld [tilespmem:s2+$0xFFFFFF00];
	v42 =	vsub.f32 v42, v31;
	v47 =	vpop (erf);
	v40 =	vmul.f32 $1.442695020e+00, v40;
	(erf) = vpow2.f32 v27  }
0x8b: {  	v58 =	vpop (erf);
	v41 =	vmul.f32 $1.442695020e+00, v41;
	v59 =	vmax.f32 v15, v16;
	v19 =	vld [tilespmem:s2+$0x30];
	(erf) = vpow2.f32 v28  }
0x8c: {  	v42 =	vmul.f32 $1.442695020e+00, v42;
	v62 =	vmax.f32 v20, v21;
	v60 =	vpop (erf);
	v25 =	vld [tilespmem:s2+$0x50];
	(erf) = vpow2.f32 v39  }
0x8d: {  	v63 =	vmax.f32 v23, v7;
	v61 =	vpop (erf);
	v39 =	vmax.f32 v17, v18;
	(erf) = vpow2.f32 v40  }
0x8e: {  	[tilespmem:$0x1FFB0] =	vst v4;
	v4 =	vmax.f32 v0, v4;
	v39 =	vmax.f32 v59, v39;
	v59 =	vpop (erf);
	(erf) = vpow2.f32 v41  }
0x8f: {  	v40 =	vmax.f32 v62, v63;
	v41 =	vadd.f32 v56, v43;
	v56 =	vpop (erf);
	v43 =	vmax.f32 v57, v49  }
0x90: {  	v63 =	vmax.f32 v35, v19;
	(erf) = vpow2.f32 v42;
	v62 =	vpop (erf);
	v43 =	vmax.f32 v43, v55  }
0x91: {  	v5 =	vmax.f32 v1, v25;
	v42 =	vmax.f32 v8, v11;
	v55 =	vpop (erf);
	v43 =	vmax.f32 v43, v44  }
0x92: {  	v24 =	vld [tilespmem:$0x1FFA0];
	v4 =	vmax.f32 v5, v4;
	v42 =	vmax.f32 v42, v63;
	(xrf0) =	vmax.scan.msk.f32 $0xffff, v43;
	v44 =	vpop (erf)  }
0x93: {  	v58 =	vadd.f32 v58, v47;
	v5 =	vadd.f32 v37, v36;
	v4 =	vmax.f32 v42, v4;
	v36 =	vpop (erf)  }
0x94: {  	v39 =	vmax.f32 v39, v40;
	(erf) = vpow2.f32 v22;
	v22 =	vpop (erf)  }
0x95: {  	v37 =	vadd.f32 v45, v38;
	v45 =	vadd.f32 v56, v59;
	(xrf0) =	vmax.scan.msk.f32 $0xffff, v39;
	v47 =	vpop (erf)  }
0x96: {  	v56 =	vmul.f32 $1.442695020e+00, v54;
	v63 =	vadd.f32 v61, v60;
	(xrf0) =	vmax.scan.msk.f32 $0xffff, v4;
	(erf) = vpow2.f32 v46;
	v4 =	vpop (erf)  }
0x97: {  	v5 =	vadd.f32 v5, v41;
	v37 =	vadd.f32 v58, v37;
	(erf) = vpow2.f32 v24;
	v58 =	vpop (erf)  }
0x98: {  	v22 =	vadd.f32 v22, v36;
	(erf) = vpow2.f32 v26;
	v26 =	vadd.f32 v44, v55;
	v60, _, _ =	vpop (xrf0)  }
0x99: {  	v4 =	vadd.f32 v4, v47;
	v59 =	vpop (erf);
	(erf) = vpow2.f32 v50;
	v50 =	vadd.f32 v37, v5  }
0x9a: {  	s10 =	sadd.s32 $0x200, s2;
	v5 =	vadd.f32 $0.0e+00, v60;
	v36 =	vadd.f32 v59, v58;
	(erf) = vpow2.f32 v30  }
0x9b: {  	v54 =	vld [tilespmem:s10+$0xB0];
	v40 =	vadd.f32 v45, v63;
	v30, _, _ =	vpop (xrf0);
	v22 =	vadd.f32 v22, v26;
	(erf) = vpow2.f32 v51  }
0x9c: {  	v55 =	vld [tilespmem:s10+$0xC0];
	v61, _, _ =	vpop (xrf0);
	v26 =	vbroadcast v5, $0xF;
	v4 =	vadd.f32 v36, v4;
	(erf) = vpow2.f32 v52  }
0x9d: {  	v47 =	vld [tilespmem:s10+$0xFFFFFF20];
	v5 =	vadd.f32 $0.0e+00, v30;
	v36 =	vadd.f32 $0.0e+00, v61;
	(erf) = vpow2.f32 v53  }
0x9e: {  	v58 =	vld [tilespmem:s10+$0xF0];
	v30 =	vpop (erf);
	v6 =	vsub.f32 v6, v26;
	v22 =	vadd.f32 v4, v22;
	(erf) = vpow2.f32 v29  }
0x9f: {  	v51 =	vld [tilespmem:s10+$0x80];
	v4 =	vadd.f32 v30, v62;
	v30 =	vbroadcast v5, $0xF;
	v29 =	vbroadcast v36, $0xF  }
0xa0: {  	v52 =	vld [tilespmem:s10+$0x90];
	v9 =	vsub.f32 v9, v26;
	v10 =	vsub.f32 v10, v26  }
0xa1: {  	v53 =	vld [tilespmem:s10+$0xA0];
	v46 =	vsub.f32 v7, v30;
	v7 =	vsub.f32 v8, v29  }
0xa2: {  	v12 =	vsub.f32 v12, v26;
	v62 =	vsub.f32 v57, v26;
	v57 =	vld [tilespmem:s10+$0xE0]  }
0xa3: {  	v13 =	vsub.f32 v13, v26;
	(erf) = vpow2.f32 v56;
	v6 =	vmul.f32 $1.442695020e+00, v6;
	v56 =	vld [tilespmem:s10+$0xD0];
	[tilespmem:$0x1FFC0] =	vst v7  }
0xa4: {  	v14 =	vsub.f32 v14, v26;
	v9 =	vmul.f32 $1.442695020e+00, v9;
	v10 =	vmul.f32 $1.442695020e+00, v10;
	v7 =	vld [tilespmem:s10+$0xFFFFFF30]  }
0xa5: {  	v5 =	vsub.f32 v49, v26;
	v12 =	vmul.f32 $1.442695020e+00, v12;
	v13 =	vmul.f32 $1.442695020e+00, v13  }
0xa6: {  	v14 =	vmul.f32 $1.442695020e+00, v14;
	v15 =	vsub.f32 v15, v30;
	v8 =	vsub.f32 v35, v29  }
0xa7: {  	v39 =	vpop (erf);
	v38 =	vmul.f32 $1.442695020e+00, v62;
	v16 =	vsub.f32 v16, v30;
	v17 =	vsub.f32 v17, v30  }
0xa8: {  	v5 =	vmul.f32 $1.442695020e+00, v5;
	v18 =	vsub.f32 v18, v30;
	v42 =	vsub.f32 v21, v30;
	v21 =	vpop (erf);
	[tilespmem:$0x1FFD0] =	vst v8  }
0xa9: {  	v20 =	vsub.f32 v20, v30;
	v43 =	vpop (erf);
	v60 =	vmax.f32 v57, v58;
	v8 =	vsub.f32 v0, v29;
	v0 =	vld [tilespmem:$0x1FFB0];
	[tilespmem:$0x1FFF0] =	vst v7  }
0xaa: {  	v36 =	vmax.f32 v51, v52;
	v59 =	vpop (erf);
	v37 =	vmax.f32 v53, v54;
	v49 =	vmax.f32 v55, v56;
	v44 =	vld [tilespmem:s10+$0xFFFFFF40]  }
0xab: {  	v41 =	vsub.f32 v11, v29;
	v61 =	vpop (erf);
	v37 =	vmax.f32 v36, v37;
	v49 =	vmax.f32 v49, v60;
	v45 =	vld [tilespmem:s10+$0xFFFFFF50]  }
0xac: {  	v15 =	vmul.f32 $1.442695020e+00, v15;
	(erf) = vpow2.f32 v38;
	v60 =	vpop (erf);
	v62 =	vmax.f32 v37, v49;
	v35 =	vld [tilespmem:s10+$0xFFFFFF60]  }
0xad: {  	v21 =	vadd.f32 v21, v39;
	v16 =	vmul.f32 $1.442695020e+00, v16;
	(erf) = vpow2.f32 v5;
	v63 =	vpop (erf);
	(xrf0) =	vmax.scan.msk.f32 $0xffff, v62;
	v36 =	vld [tilespmem:s10+$0xFFFFFF70]  }
0xae: {  	v17 =	vmul.f32 $1.442695020e+00, v17;
	(erf) = vpow2.f32 v6;
	v49 =	vsub.f32 v19, v29;
	v19 =	vpop (erf);
	v37 =	vld [tilespmem:s10+$0xFFFFFF80]  }
0xaf: {  	v18 =	vmul.f32 $1.442695020e+00, v18;
	(erf) = vpow2.f32 v9;
	v5 =	vpop (erf);
	v19 =	vadd.f32 v19, v63;
	v39 =	vld [tilespmem:s10+$0xFFFFFFA0]  }
0xb0: {  	v43 =	vadd.f32 v59, v43;
	v59 =	vadd.f32 v60, v61;
	v6 =	vld [tilespmem:s10+$0xFFFFFFB0];
	(erf) = vpow2.f32 v10;
	v60 =	vpop (erf)  }
0xb1: {  	v4 =	vadd.f32 v21, v4;
	v38 =	vld [tilespmem:s10+$0xFFFFFF90];
	(erf) = vpow2.f32 v12;
	v5 =	vadd.f32 v60, v5  }
0xb2: {  	v20 =	vmul.f32 $1.442695020e+00, v20;
	v9 =	vld [tilespmem:s10+$0xFFFFFFC0];
	v43 =	vadd.f32 v59, v43;
	(erf) = vpow2.f32 v13  }
0xb3: {  	v59 =	vadd.f32 v4, v40;
	v10 =	vld [tilespmem:s10+$0xFFFFFFD0];
	(erf) = vpow2.f32 v14;
	v4 =	vadd.f32 v5, v19;
	v19, _, _ =	vpop (xrf0)  }
0xb4: {  	v11 =	vsub.f32 v0, v29;
	(erf) = vpow2.f32 v15;
	v19 =	vadd.f32 $0.0e+00, v19  }
0xb5: {  	v12 =	vld [tilespmem:s10+$0xFFFFFFE0];
	v21 =	vmax.f32 v44, v45;
	v5 =	vmax.f32 v35, v36;
	v60 =	vmax.f32 v39, v6  }
0xb6: {  	v13 =	vld [tilespmem:s10+$0xFFFFFFF0];
	(erf) = vpow2.f32 v16;
	v40 =	vadd.f32 v4, v43;
	v4 =	vbroadcast v19, $0xF  }
0xb7: {  	v0 =	vld [tilespmem:$0x1FFC0];
	v24 =	vmax.f32 v21, v5;
	v21 =	vmax.f32 v37, v38;
	(erf) = vpow2.f32 v17  }
0xb8: {  	(xrf2) =	vadd.scan.msk.f32 $0xffff, v50;
	v14 =	vld [tilespmem:s10+$0x0];
	v60 =	vmax.f32 v21, v60;
	v21 =	vmax.f32 v9, v10;
	v51 =	vsub.f32 v51, v4  }
0xb9: {  	(xrf2) =	vadd.scan.msk.f32 $0xffff, v22;
	v15 =	vld [tilespmem:s10+$0x10];
	(erf) = vpow2.f32 v18;
	v19 =	vpop (erf);
	v63 =	vsub.f32 v52, v4;
	v22 =	vsub.f32 v53, v4  }
0xba: {  	v43 =	vld [tilespmem:s10+$0xFFFFFF10];
	(erf) = vpow2.f32 v20;
	v53 =	vsub.f32 v55, v4;
	v56 =	vsub.f32 v56, v4;
	v16 =	vpop (erf)  }
0xbb: {  	v17 =	vld [tilespmem:s10+$0x30];
	v62 =	vadd.f32 v16, v19;
	v19 =	vmax.f32 v12, v13;
	v20 =	vmul.f32 $1.442695020e+00, v51  }
0xbc: {  	v18 =	vld [tilespmem:s10+$0x40];
	v51 =	vmax.f32 v21, v19;
	v21 =	vmul.f32 $1.442695020e+00, v63;
	v63 =	vsub.f32 v54, v4  }
0xbd: {  	v16 =	vld [tilespmem:s10+$0x20];
	v22 =	vmul.f32 $1.442695020e+00, v22;
	v53 =	vmul.f32 $1.442695020e+00, v53  }
0xbe: {  	(xrf2) =	vadd.scan.msk.f32 $0xffff, v59;
	v57 =	vsub.f32 v57, v4;
	v52 =	vpop (erf);
	v56 =	vmul.f32 $1.442695020e+00, v56;
	v54 =	vld [tilespmem:s10+$0xFFFFFF00];
	(erf) = vpow2.f32 v20  }
0xbf: {  	v58 =	vsub.f32 v58, v4;
	v55 =	vpop (erf);
	v19 =	vld [tilespmem:s10+$0x50];
	v50 =	vmul.f32 $1.442695020e+00, v63;
	(erf) = vpow2.f32 v21  }
0xc0: {  	v23 =	vsub.f32 v23, v30;
	v57 =	vmul.f32 $1.442695020e+00, v57;
	v20 =	vld [tilespmem:s10+$0x60];
	(erf) = vpow2.f32 v22;
	v63 =	vpop (erf)  }
0xc1: {  	v58 =	vmul.f32 $1.442695020e+00, v58;
	v21 =	vld [tilespmem:s10+$0x70];
	(erf) = vpow2.f32 v50;
	v27 =	vpop (erf)  }
0xc2: {  	v61 =	vmax.f32 v47, v7;
	v22 =	vmul.f32 $1.442695020e+00, v23;
	v59 =	vpop (erf);
	(erf) = vpow2.f32 v53  }
0xc3: {  	v23 =	vmul.f32 $1.442695020e+00, v0;
	v50 =	vmax.f32 v14, v15;
	v53 =	vpop (erf);
	(erf) = vpow2.f32 v56  }
0xc4: {  	v56 =	vmax.f32 v54, v43;
	v28 =	vpop (erf);
	(erf) = vpow2.f32 v57;
	v57 =	vmax.f32 v16, v17  }
0xc5: {  	v0 =	vld [tilespmem:$0x1FFD0];
	v56 =	vmax.f32 v56, v61;
	v61, _, _ =	vpop (xrf2);
	v50 =	vmax.f32 v50, v57;
	v57 =	vmax.f32 v18, v19  }
0xc6: {  	(erf) = vpow2.f32 v58;
	v58, _, _ =	vpop (xrf2);
	v24 =	vmax.f32 v56, v24;
	v56 =	vmax.f32 v20, v21  }
0xc7: {  	v51 =	vmax.f32 v60, v51;
	v60 =	vpop (erf);
	v56 =	vmax.f32 v57, v56  }
0xc8: {  	s31 =	simm.s32 $0x105A2;
	v27 =	vadd.f32 v27, v63;
	v63, _, _ =	vpop (xrf2)  }
0xc9: {  	v42 =	vmul.f32 $1.442695020e+00, v42;
	[tilespmem:s31+$0x11] =	vst v48;
	v57 =	vpop (erf)  }
0xca: {  	v5 =	vsub.f32 v25, v29;
	v25 =	vmul.f32 $1.442695020e+00, v0;
	v0 =	vld [tilespmem:$0x1FFE0];
	[tilespmem:s31+$0xFFFFFFDE] =	vst v34;
	v50 =	vmax.f32 v50, v56;
	v56 =	vpop (erf)  }
0xcb: {  	v46 =	vmul.f32 $1.442695020e+00, v46;
	v41 =	vmul.f32 $1.442695020e+00, v41;
	v52 =	vadd.f32 v55, v52;
	[tilespmem:s31+$0xFFFFFFEF] =	vst v32;
	v55 =	vpop (erf)  }
0xcc: {  	v8 =	vmul.f32 $1.442695020e+00, v8;
	v7 =	vsub.f32 v1, v29;
	v53 =	vadd.f32 v53, v59;
	[tilespmem:s31+$0x0] =	vst v33;
	s31 =	simm.s32 $0x105E6;
	v59 =	vpop (erf)  }
0xcd: {  	v48 =	vmul.f32 $1.442695020e+00, v5;
	[tilespmem:s31+$0x11] =	vst v31;
	v5 =	vadd.f32 v60, v28;
	(erf) = vpow2.f32 v42;
	v28 =	vpop (erf)  }
0xce: {  	v58 =	vadd.f32 $0.0e+00, v58;
	(xrf0) =	vmax.scan.msk.f32 $0xffff, v24;
	(erf) = vpow2.f32 v22;
	v22 =	vadd.f32 v56, v57;
	v42 =	vpop (erf)  }
0xcf: {  	[tilespmem:s31+$0xFFFFFFDE] =	vst v26;
	v24 =	vadd.f32 v52, v62;
	v52 =	vmul.f32 $1.442695020e+00, v11;
	v11 =	vadd.f32 $0.0e+00, v61;
	v60 =	vpop (erf)  }
0xd0: {  	v27 =	vadd.f32 v53, v27;
	(xrf0) =	vmax.scan.msk.f32 $0xffff, v51;
	v58 =	vbroadcast v58, $0xF;
	(erf) = vpow2.f32 v46;
	v61 =	vpop (erf)  }
0xd1: {  	(xrf0) =	vmax.scan.msk.f32 $0xffff, v50;
	v62 =	vbroadcast v11, $0xF;
	v11 =	vadd.f32 $0.0e+00, v63;
	(erf) = vpow2.f32 v23;
	v63 =	vpop (erf)  }
0xd2: {  	[tilespmem:s31+$0xFFFFFFEF] =	vst v30;
	v23 =	vadd.f32 v27, v24;
	v5 =	vadd.f32 v22, v5;
	(erf) = vpow2.f32 v41;
	v22 =	vpop (erf)  }
0xd3: {  	s25 =	simm.s32 $0x116A2;
	[tilespmem:s31+$0x0] =	vst v29;
	v24 =	vadd.f32 v28, v59;
	v28 =	vpop (erf);
	(erf) = vpow2.f32 v25;
	v25 =	vadd.f32 v63, v61  }
0xd4: {  	s2 =	simm.s32 $0x116E6;
	v49 =	vmul.f32 $1.442695020e+00, v49;
	[tilespmem:s25+$0x11] =	vst v0;
	v27 =	vadd.f32 v60, v42;
	v22 =	vadd.f32 v28, v22;
	v28, _, _ =	vpop (xrf0)  }
0xd5: {  	v7 =	vmul.f32 $1.442695020e+00, v7;
	v31 =	vbroadcast v11, $0xF;
	[tilespmem:s2+$0x11] =	vst v58;
	v11 =	vadd.f32 $0.0e+00, v28  }
0xd6: {  	[tilespmem:s25+$0xFFFFFFDE] =	vst v62;
	v24 =	vadd.f32 v27, v24;
	(erf) = vpow2.f32 v49;
	v28, _, _ =	vpop (xrf0);
	v22 =	vadd.f32 v22, v25  }
0xd7: {  	[tilespmem:s25+$0xFFFFFFEF] =	vst v31;
	(erf) = vpow2.f32 v7;
	v25, _, _ =	vpop (xrf0);
	v7 =	vbroadcast v11, $0xF;
	v11 =	vadd.f32 $0.0e+00, v28  }
0xd8: {  	v0 =	vld [tilespmem:$0x1FFF0];
	(xrf2) =	vadd.scan.msk.f32 $0xffff, v23;
	v26 =	vpop (erf);
	(erf) = vpow2.f32 v48;
	v25 =	vadd.f32 $0.0e+00, v25;
	v27 =	vadd.f32 v22, v24  }
0xd9: {  	v22 =	vadd.f32 v26, v55;
	v26 =	vsub.f32 v54, v7  }
0xda: {  	v41 =	vpop (erf);
	(erf) = vpow2.f32 v8;
	v8 =	vbroadcast v25, $0xF;
	v25 =	vsub.f32 v43, v7  }
0xdb: {  	v42 =	vpop (erf)  }
0xdc: {  	v24 =	vpop (erf);
	(erf) = vpow2.f32 v52;
	v11 =	vbroadcast v11, $0xF;
	v28 =	vsub.f32 v47, v7;
	(xrf2) =	vadd.scan.msk.f32 $0xffff, v27  }
0xdd: {  	v30 =	vsub.f32 v0, v7;
	v33 =	vsub.f32 v35, v7;
	v51 =	vmul.f32 $1.442695020e+00, v26;
	v26 =	vpop (erf)  }
0xde: {  	s9 =	sshrl.u32 s9, $0x2;
	v34 =	vsub.f32 v36, v7;
	v43 =	vsub.f32 v44, v7;
	v52 =	vmul.f32 $1.442695020e+00, v25;
	v25 =	vpop (erf)  }
0xdf: {  	s24 =	sshll.u32 s21, $0xF;
	s23 =	sadd.s32 s9, s19;
	s22 =	sadd.s32 s9, s20;
	v44 =	vsub.f32 v45, v7;
	v53 =	vmul.f32 $1.442695020e+00, v28;
	v29 =	vsub.f32 v37, v11;
	(xrf2) =	vadd.scan.msk.f32 $0xffff, v40;
	v27 =	vpop (erf)  }
0xe0: {  	s9 =	simm.s32 $0x8;
	s8 =	simm.s32 $0x116E6;
	s10 =	sadd.s32 $0x200, s10;
	v35 =	vmul.f32 $1.442695020e+00, v30;
	v30 =	vsub.f32 v38, v11;
	v23 =	vsub.f32 v39, v11;
	v28 =	vpop (erf)  }
.LBB2_3:
0xe1: {  	v50 =	vld [tilespmem:s10+$0x80];
	v54 =	vmul.f32 $1.442695020e+00, v43;
	v6 =	vsub.f32 v6, v11;
	v9 =	vsub.f32 v9, v11;
	v31 =	vpop (erf)  }
0xe2: {  	v55 =	vmul.f32 $1.442695020e+00, v44;
	v10 =	vsub.f32 v10, v11;
	v12 =	vsub.f32 v12, v11;
	v49 =	vld [tilespmem:s10+$0x90];
	v56, _, _ =	vpop (xrf2)  }
0xe3: {  	v57 =	vmul.f32 $1.442695020e+00, v33;
	v13 =	vsub.f32 v13, v11;
	v14 =	vsub.f32 v14, v8;
	v43 =	vld [tilespmem:s10+$0xA0];
	v32 =	vpop (erf)  }
0xe4: {  	v58 =	vmul.f32 $1.442695020e+00, v34;
	v15 =	vsub.f32 v15, v8;
	v16 =	vsub.f32 v16, v8;
	v44 =	vld [tilespmem:s10+$0xB0]  }
0xe5: {  	v59 =	vmul.f32 $1.442695020e+00, v29;
	v17 =	vsub.f32 v17, v8;
	v18 =	vsub.f32 v18, v8;
	v45 =	vld [tilespmem:s10+$0xC0];
	v60 =	vpop (erf)  }
0xe6: {  	v19 =	vsub.f32 v19, v8;
	v20 =	vsub.f32 v20, v8;
	v61 =	vmul.f32 $1.442695020e+00, v30;
	v46 =	vld [tilespmem:s10+$0xD0];
	v29, _, _ =	vpop (xrf2)  }
0xe7: {  	v21 =	vsub.f32 v21, v8;
	v62 =	vmul.f32 $1.442695020e+00, v23;
	v47 =	vld [tilespmem:s10+$0xE0];
	v29 =	vadd.f32 $0.0e+00, v29  }
0xe8: {  	v63 =	vmul.f32 $1.442695020e+00, v6;
	v0 =	vmul.f32 $1.442695020e+00, v9;
	v6 =	vadd.f32 v42, v41;
	v48 =	vld [tilespmem:s10+$0xF0]  }
0xe9: {  	s31 =	sadd.s32 $0x44, s31;
	v39 =	vmul.f32 $1.442695020e+00, v10;
	v10 =	vadd.f32 v26, v24;
	v23 =	vld [tilespmem:s10+$0xFFFFFF10];
	v9 =	vbroadcast v29, $0xF;
	v42, _, _ =	vpop (xrf2)  }
0xea: {  	s2 =	sadd.s32 $0x44, s2;
	v41 =	vmul.f32 $1.442695020e+00, v12;
	v36 =	vmul.f32 $1.442695020e+00, v13;
	v24 =	vld [tilespmem:s10+$0xFFFFFF20];
	[tilespmem:s31+$0x11] =	vst v4;
	v4 =	vadd.f32 v27, v25  }
0xeb: {  	v38 =	vmul.f32 $1.442695020e+00, v14;
	v34 =	vmul.f32 $1.442695020e+00, v15;
	v25 =	vld [tilespmem:s10+$0xFFFFFF30];
	[tilespmem:s2+$0x11] =	vst v9;
	v9 =	vadd.f32 v31, v28  }
0xec: {  	v37 =	vmul.f32 $1.442695020e+00, v16;
	v12 =	vmax.f32 v50, v49;
	v26 =	vld [tilespmem:s10+$0xFFFFFF40];
	[tilespmem:s31+$0xFFFFFFDE] =	vst v7;
	v7 =	vmul.f32 $1.442695020e+00, v17  }
0xed: {  	v13 =	vmax.f32 v43, v44;
	v14 =	vmax.f32 v45, v46;
	v27 =	vld [tilespmem:s10+$0xFFFFFF50];
	v15 =	vmax.f32 v47, v48;
	[tilespmem:s31+$0xFFFFFFEF] =	vst v11  }
0xee: {  	v12 =	vmax.f32 v12, v13;
	v11 =	vmul.f32 $1.442695020e+00, v18;
	v28 =	vld [tilespmem:s10+$0xFFFFFF60];
	v13 =	vmax.f32 v14, v15;
	[tilespmem:s31+$0x0] =	vst v8  }
0xef: {  	s9 =	sadd.s32 $0x4, s9;
	v40 =	vmul.f32 $1.442695020e+00, v19;
	v8 =	vmul.f32 $1.442695020e+00, v20;
	v29 =	vld [tilespmem:s10+$0xFFFFFF70];
	v12 =	vmax.f32 v12, v13  }
0xf0: {  	p1 =	slt.u32 s9, $0xFC;
	v33 =	vmul.f32 $1.442695020e+00, v21;
	v1 =	vmax.f32 v24, v25;
	v30 =	vld [tilespmem:s10+$0xFFFFFF80];
	(xrf0) =	vmax.scan.msk.f32 $0xffff, v12;
	(erf) = vpow2.f32 v51  }
0xf1: {  	v13 =	vadd.f32 v60, v32;
	v12 =	vadd.f32 v6, v22;
	v31 =	vld [tilespmem:s10+$0xFFFFFF90];
	(erf) = vpow2.f32 v52  }
0xf2: {  	v4 =	vadd.f32 v4, v10;
	v14 =	vmax.f32 v26, v27;
	v32 =	vld [tilespmem:s10+$0xFFFFFFA0];
	(erf) = vpow2.f32 v53  }
0xf3: {  	v5 =	vadd.f32 v12, v5;
	v12 =	vadd.f32 v13, v9;
	v6 =	vld [tilespmem:s10+$0xFFFFFFB0];
	(erf) = vpow2.f32 v35  }
0xf4: {  	v15 =	vadd.f32 $0.0e+00, v56;
	v10 =	vmax.f32 v28, v29;
	v9 =	vld [tilespmem:s10+$0xFFFFFFC0];
	(erf) = vpow2.f32 v54  }
0xf5: {  	v35 =	vadd.f32 v12, v4;
	v22 =	vmax.f32 v14, v10;
	v10 =	vld [tilespmem:s10+$0xFFFFFFD0];
	(erf) = vpow2.f32 v55  }
0xf6: {  	v16 =	vadd.f32 $0.0e+00, v42;
	v12 =	vld [tilespmem:s10+$0xFFFFFFE0];
	v4 =	vmax.f32 v30, v31;
	v14, _, _ =	vpop (xrf0);
	(erf) = vpow2.f32 v57  }
0xf7: {  	v51 =	vbroadcast v15, $0xF;
	v13 =	vld [tilespmem:s10+$0xFFFFFFF0];
	v17 =	vadd.f32 $0.0e+00, v14;
	(erf) = vpow2.f32 v58  }
0xf8: {  	v19 =	vbroadcast v16, $0xF;
	v15 =	vmax.f32 v32, v6;
	v14 =	vld [tilespmem:s10+$0x0];
	(erf) = vpow2.f32 v59  }
0xf9: {  	v42 =	vmax.f32 v4, v15;
	v15 =	vld [tilespmem:s10+$0x10];
	v4 =	vbroadcast v17, $0xF;
	v20 =	vpop (erf);
	(erf) = vpow2.f32 v61;
	[tilespmem:s8+$0xFFFFFFDE] =	vst v51  }
0xfa: {  	v21 =	vmax.f32 v9, v10;
	v16 =	vld [tilespmem:s10+$0x20];
	v18 =	vpop (erf);
	(erf) = vpow2.f32 v62;
	[tilespmem:s25+$0x0] =	vst v19;
	s25 =	smov.u32 s8;
	s8 =	smov.u32 s2  }
0xfb: {  	v17 =	vld [tilespmem:s10+$0x30];
	v54 =	vsub.f32 v50, v4;
	v51 =	vadd.f32 v18, v20;
	v52 =	vpop (erf);
	(erf) = vpow2.f32 v63  }
0xfc: {  	v49 =	vsub.f32 v49, v4;
	v19 =	vmax.f32 v12, v13;
	v18 =	vld [tilespmem:s10+$0x40];
	v53 =	vpop (erf);
	(erf) = vpow2.f32 v0;
	(xrf2) =	vadd.scan.msk.f32 $0xffff, v5  }
0xfd: {  	v43 =	vsub.f32 v43, v4;
	v0 =	vmax.f32 v21, v19;
	v19 =	vld [tilespmem:s10+$0x50];
	v56 =	vmul.f32 $1.442695020e+00, v54;
	v50 =	vpop (erf)  }
0xfe: {  	v44 =	vsub.f32 v44, v4;
	v57 =	vmul.f32 $1.442695020e+00, v49;
	v20 =	vld [tilespmem:s10+$0x60];
	v54 =	vmax.f32 v14, v15;
	v55 =	vpop (erf)  }
0xff: {  	v45 =	vsub.f32 v45, v4;
	v58 =	vmul.f32 $1.442695020e+00, v43;
	v21 =	vld [tilespmem:s10+$0x70];
	(erf) = vpow2.f32 v56;
	v5 =	vpop (erf)  }
0x100: {  	v46 =	vsub.f32 v46, v4;
	v59 =	vmul.f32 $1.442695020e+00, v44;
	v56 =	vld [tilespmem:s10+$0xFFFFFF00];
	(erf) = vpow2.f32 v57;
	v49 =	vpop (erf)  }
0x101: {  	v47 =	vsub.f32 v47, v4;
	v60 =	vmul.f32 $1.442695020e+00, v45;
	(erf) = vpow2.f32 v58;
	v43 =	vpop (erf)  }
0x102: {  	v48 =	vsub.f32 v48, v4;
	v61 =	vmul.f32 $1.442695020e+00, v46;
	(erf) = vpow2.f32 v59;
	v44 =	vpop (erf)  }
0x103: {  	v62 =	vmul.f32 $1.442695020e+00, v47;
	v57 =	vmax.f32 v16, v17;
	(erf) = vpow2.f32 v60;
	v45 =	vpop (erf)  }
0x104: {  	v63 =	vmul.f32 $1.442695020e+00, v48;
	v58 =	vmax.f32 v18, v19;
	(erf) = vpow2.f32 v61;
	v46 =	vpop (erf)  }
0x105: {  	v60 =	vmax.f32 v20, v21;
	v59 =	vmax.f32 v56, v23;
	(erf) = vpow2.f32 v62;
	v47 =	vpop (erf)  }
0x106: {  	v54 =	vmax.f32 v54, v57;
	v1 =	vmax.f32 v59, v1;
	(erf) = vpow2.f32 v63;
	v48, _, _ =	vpop (xrf2)  }
0x107: {  	v0 =	vmax.f32 v42, v0;
	v1 =	vmax.f32 v1, v22;
	v22 =	vmax.f32 v58, v60  }
0x108: {  	v52 =	vadd.f32 v53, v52;
	v50 =	vadd.f32 v55, v50;
	v22 =	vmax.f32 v54, v22;
	v42 =	vpop (erf)  }
0x109: {  	v5 =	vadd.f32 v49, v5;
	v43 =	vadd.f32 v44, v43;
	v53 =	vpop (erf)  }
0x10a: {  	v44 =	vadd.f32 v52, v51;
	v45 =	vadd.f32 v46, v45;
	(xrf0) =	vmax.scan.msk.f32 $0xffff, v1;
	v1 =	vpop (erf);
	(erf) = vpow2.f32 v39  }
0x10b: {  	v46 =	vadd.f32 $0.0e+00, v48;
	v39 =	vadd.f32 v5, v50;
	(xrf0) =	vmax.scan.msk.f32 $0xffff, v0;
	v0 =	vpop (erf);
	(erf) = vpow2.f32 v41  }
0x10c: {  	v5 =	vadd.f32 v45, v43;
	(xrf0) =	vmax.scan.msk.f32 $0xffff, v22;
	v22 =	vpop (erf);
	(erf) = vpow2.f32 v36  }
0x10d: {  	v39 =	vadd.f32 v39, v44;
	v36 =	vpop (erf);
	(erf) = vpow2.f32 v38;
	v38 =	vbroadcast v46, $0xF  }
0x10e: {  	v41 =	vpop (erf);
	(erf) = vpow2.f32 v34  }
0x10f: {  	v0 =	vadd.f32 v0, v1;
	v34 =	vadd.f32 v53, v42;
	v1 =	vpop (erf);
	(erf) = vpow2.f32 v37;
	[tilespmem:s25+$0xFFFFFFEF] =	vst v38  }
0x110: {  	v22 =	vadd.f32 v36, v22;
	v1 =	vadd.f32 v1, v41;
	v36, _, _ =	vpop (xrf0);
	(erf) = vpow2.f32 v7  }
0x111: {  	v7 =	vadd.f32 $0.0e+00, v36;
	v36, _, _ =	vpop (xrf0);
	(erf) = vpow2.f32 v11  }
0x112: {  	v0 =	vadd.f32 v0, v34;
	v1 =	vadd.f32 v1, v22;
	v11, _, _ =	vpop (xrf0);
	(xrf2) =	vadd.scan.msk.f32 $0xffff, v39;
	(erf) = vpow2.f32 v40  }
0x113: {  	v34 =	vadd.f32 $0.0e+00, v36;
	v7 =	vbroadcast v7, $0xF;
	v36 =	vadd.f32 $0.0e+00, v11;
	v11 =	vpop (erf)  }
0x114: {  	v0 =	vadd.f32 v1, v0;
	v22 =	vadd.f32 v11, v47;
	v41 =	vpop (erf);
	(erf) = vpow2.f32 v8  }
0x115: {  	v11 =	vbroadcast v34, $0xF;
	v1 =	vsub.f32 v56, v7;
	v8 =	vbroadcast v36, $0xF;
	v42 =	vpop (erf)  }
.Ltmp0:
0x116: {  	v23 =	vsub.f32 v23, v7;
	v34 =	vsub.f32 v24, v7;
	(xrf2) =	vadd.scan.msk.f32 $0xffff, v0;
	v24 =	vpop (erf);
	(erf) = vpow2.f32 v33;
	(pc) =	sbr.rel @p1 .LBB2_3-.Ltmp0, $4  }
0x117: {  	v43 =	vsub.f32 v26, v7;
	v0 =	vsub.f32 v25, v7;
	v51 =	vmul.f32 $1.442695020e+00, v1;
	v26 =	vpop (erf)  }
0x118: {  	v44 =	vsub.f32 v27, v7;
	v33 =	vsub.f32 v28, v7;
	v52 =	vmul.f32 $1.442695020e+00, v23;
	v25 =	vpop (erf)  }
0x119: {  	v53 =	vmul.f32 $1.442695020e+00, v34;
	v34 =	vsub.f32 v29, v7;
	v29 =	vsub.f32 v30, v11;
	v27 =	vpop (erf);
	(xrf2) =	vadd.scan.msk.f32 $0xffff, v35  }
0x11a: {  	s10 =	sadd.s32 $0x200, s10;
	v30 =	vsub.f32 v31, v11;
	v23 =	vsub.f32 v32, v11;
	v35 =	vmul.f32 $1.442695020e+00, v0;
	v28 =	vpop (erf)  }
0x11b: {  	(erf) = vpow2.f32 v51  }
0x11c: {  	v0 =	vmul.f32 $1.442695020e+00, v43;
	(erf) = vpow2.f32 v52  }
0x11d: {  	v1 =	vmul.f32 $1.442695020e+00, v44;
	(erf) = vpow2.f32 v53  }
0x11e: {  	v31 =	vmul.f32 $1.442695020e+00, v33;
	(erf) = vpow2.f32 v35  }
0x11f: {  	v29 =	vmul.f32 $1.442695020e+00, v29;
	(erf) = vpow2.f32 v0  }
0x120: {  	v0 =	vmul.f32 $1.442695020e+00, v34;
	(erf) = vpow2.f32 v1  }
0x121: {  	v6 =	vsub.f32 v6, v11;
	v30 =	vmul.f32 $1.442695020e+00, v30;
	v1 =	vpop (erf);
	(erf) = vpow2.f32 v31  }
0x122: {  	v10 =	vsub.f32 v10, v11;
	v23 =	vmul.f32 $1.442695020e+00, v23;
	v31 =	vpop (erf);
	(erf) = vpow2.f32 v0  }
0x123: {  	v6 =	vmul.f32 $1.442695020e+00, v6;
	v0 =	vsub.f32 v9, v11;
	v9 =	vpop (erf);
	(erf) = vpow2.f32 v29  }
0x124: {  	v12 =	vsub.f32 v12, v11;
	v10 =	vmul.f32 $1.442695020e+00, v10;
	v29 =	vpop (erf);
	(erf) = vpow2.f32 v30  }
0x125: {  	v13 =	vsub.f32 v13, v11;
	v0 =	vmul.f32 $1.442695020e+00, v0;
	v30 =	vpop (erf);
	(erf) = vpow2.f32 v23  }
0x126: {  	v12 =	vmul.f32 $1.442695020e+00, v12;
	v23 =	vpop (erf);
	(erf) = vpow2.f32 v6;
	v6 =	vsub.f32 v14, v8  }
0x127: {  	v13 =	vmul.f32 $1.442695020e+00, v13;
	v14 =	vpop (erf);
	(erf) = vpow2.f32 v0;
	v0 =	vsub.f32 v15, v8  }
0x128: {  	v15 =	vpop (erf);
	(erf) = vpow2.f32 v10;
	v10 =	vsub.f32 v16, v8;
	v6 =	vmul.f32 $1.442695020e+00, v6  }
0x129: {  	v16 =	vpop (erf);
	(erf) = vpow2.f32 v12;
	v12 =	vsub.f32 v17, v8;
	v0 =	vmul.f32 $1.442695020e+00, v0  }
0x12a: {  	v17 =	vpop (erf);
	(erf) = vpow2.f32 v13;
	v13 =	vsub.f32 v18, v8;
	v10 =	vmul.f32 $1.442695020e+00, v10  }
0x12b: {  	v18 =	vpop (erf);
	(erf) = vpow2.f32 v6;
	v6 =	vsub.f32 v19, v8;
	v12 =	vmul.f32 $1.442695020e+00, v12  }
0x12c: {  	v19 =	vpop (erf);
	(erf) = vpow2.f32 v0;
	v0 =	vsub.f32 v20, v8;
	v13 =	vmul.f32 $1.442695020e+00, v13  }
0x12d: {  	v20 =	vpop (erf);
	(erf) = vpow2.f32 v10;
	v10 =	vsub.f32 v21, v8;
	v6 =	vmul.f32 $1.442695020e+00, v6  }
0x12e: {  	v21 =	vpop (erf);
	(erf) = vpow2.f32 v12;
	v12 =	vadd.f32 v42, v41;
	v0 =	vmul.f32 $1.442695020e+00, v0  }
0x12f: {  	v1 =	vadd.f32 v1, v28;
	v32 =	vpop (erf);
	(erf) = vpow2.f32 v13;
	v10 =	vmul.f32 $1.442695020e+00, v10  }
0x130: {  	v9 =	vadd.f32 v9, v31;
	v13 =	vadd.f32 v26, v24;
	v24 =	vpop (erf);
	(erf) = vpow2.f32 v6  }
0x131: {  	v6 =	vadd.f32 v27, v25;
	v25 =	vpop (erf);
	(erf) = vpow2.f32 v0  }
0x132: {  	v1 =	vadd.f32 v9, v1;
	v0 =	vadd.f32 v12, v22;
	v12 =	vpop (erf);
	(erf) = vpow2.f32 v10  }
0x133: {  	v9 =	vadd.f32 v30, v29;
	v15 =	vadd.f32 v16, v15;
	v10 =	vpop (erf)  }
0x134: {  	v16 =	vadd.f32 v18, v17;
	v0 =	vadd.f32 v0, v5;
	v5 =	vpop (erf)  }
0x135: {  	v6 =	vadd.f32 v6, v13;
	v13 =	vadd.f32 v14, v23;
	v14 =	vpop (erf)  }
0x136: {  	v18 =	vadd.f32 v20, v19;
	v19 =	vadd.f32 v32, v21;
	v17 =	vpop (erf)  }
0x137: {  	v20 =	vpop (erf)  }
0x138: {  	v1 =	vadd.f32 v1, v6;
	v6 =	vadd.f32 v13, v9;
	v9 =	vpop (erf)  }
0x139: {  	v13 =	vadd.f32 v16, v15;
	v15 =	vadd.f32 v19, v18;
	v16 =	vpop (erf)  }
0x13a: {  	v18 =	vadd.f32 v25, v24;
	v10 =	vadd.f32 v10, v12;
	v19 =	vpop (erf)  }
0x13b: {  	v5 =	vadd.f32 v14, v5;
	v14 =	vadd.f32 v20, v17;
	v12 =	vpop (erf)  }
0x13c: {  	v9 =	vadd.f32 v16, v9;
	v12 =	vadd.f32 v12, v19  }
0x13d: {  	v6 =	vadd.f32 v13, v6;
	v10 =	vadd.f32 v10, v18  }
0x13e: {  	(xrf2) =	vadd.scan.msk.f32 $0xffff, v0;
	v0 =	vadd.f32 v14, v5;
	v5 =	vadd.f32 v12, v9  }
0x13f: {  	(xrf2) =	vadd.scan.msk.f32 $0xffff, v6;
	v6 =	vadd.f32 v10, v15  }
0x140: {  	(xrf2) =	vadd.scan.msk.f32 $0xffff, v1;
	v0 =	vadd.f32 v5, v0  }
0x141: {  	v1, _, _ =	vpop (xrf2);
	(xrf2) =	vadd.scan.msk.f32 $0xffff, v6  }
0x142: {  	v5, _, _ =	vpop (xrf2);
	(xrf2) =	vadd.scan.msk.f32 $0xffff, v0  }
0x143: {  	v0 =	vadd.f32 $0.0e+00, v5;
	_ =	sdelay $0x1  }
0x144: {  	s9 =	sadd.s32 $0x44, s31;
	v0 =	vbroadcast v0, $0xF  }
0x145: {  	s2 =	sadd.s32 $0x44, s2;
	[tilespmem:s9+$0x11] =	vst v4  }
0x146: {  	v4, _, _ =	vpop (xrf2);
	[tilespmem:s2+$0x11] =	vst v0;
	v0 =	vadd.f32 $0.0e+00, v1  }
0x147: {  	v4 =	vadd.f32 $0.0e+00, v4;
	v1, _, _ =	vpop (xrf2)  }
0x148: {  	v5, _, _ =	vpop (xrf2);
	v1 =	vadd.f32 $0.0e+00, v1;
	v0 =	vbroadcast v0, $0xF  }
0x149: {  	[tilespmem:s9+$0xFFFFFFDE] =	vst v7;
	v4 =	vbroadcast v4, $0xF;
	v6, _, _ =	vpop (xrf2);
	v5 =	vadd.f32 $0.0e+00, v5  }
0x14a: {  	[tilespmem:s8+$0xFFFFFFDE] =	vst v0;
	v0 =	vbroadcast v1, $0xF;
	v1 =	vadd.f32 $0.0e+00, v6;
	v6, _, _ =	vpop (xrf2)  }
0x14b: {  	[tilespmem:s25+$0x0] =	vst v4;
	v4 =	vbroadcast v5, $0xF;
	v5 =	vadd.f32 $0.0e+00, v6;
	v6, _, _ =	vpop (xrf2)  }
0x14c: {  	[tilespmem:s8+$0xFFFFFFEF] =	vst v0;
	v0 =	vbroadcast v1, $0xF;
	v1 =	vadd.f32 $0.0e+00, v6  }
0x14d: {  	[tilespmem:s9+$0xFFFFFFEF] =	vst v11  }
0x14e: {  	[tilespmem:s8+$0x0] =	vst v0;
	v0 =	vbroadcast v1, $0xF  }
0x14f: {  	[tilespmem:s9+$0x0] =	vst v8;
	s9 =	simm.s32 $0x0;
	v29 =	vlaneseq.u32  }
0x150: {  	[tilespmem:s2+$0x0] =	vst v0;
	v0 =	vor.u32 s9, v29  }
0x151: {  	v1 =	vmul.u32 $0x11, v0;
	_ =	sdelay $0x2  }
0x152: {  	[tilespmem:s2+$0xFFFFFFDE] =	vst v4;
	v4 =	vbroadcast v5, $0xF;
	_ =	sdelay $0x1  }
0x153: {  	[tilespmem:s2+$0xFFFFFFEF] =	vst v4  }
0x154: {  	v6 =	vld.idx.msk [tilespmem:v1+s30+$0x0], $0xffff;
	_ =	sdelay $0x4  }
0x155: {  	s10 =	simm.s32 $0x10;
	v4 =	vand.u32 $0x7FFFFF, v6  }
0x156: {  	v16 =	vor.u32 s10, v29;
	v4 =	vor.u32 $0x3F800000, v4  }
0x157: {  	v12 =	vmul.u32 $0x11, v16;
	v7 =	vmul.f32 $5.000000000e-01, v4  }
0x158: {  	vm1 =	vgt.f32 v4, $1.414213540e+00  }
0x159: {  	v4 =	vsel vm1, v7, v4  }
0x15a: {  	v7 =	vadd.f32 $1.000000000e+00, v4;
	_ =	sdelay $0x1  }
0x15b: {  	(erf) = vrcp.f32 v7  }
0x15c: {  	v11 =	vld.idx.msk [tilespmem:v12+s30+$0x0], $0xffff;
	_ =	sdelay $0x4  }
0x15d: {  	v5 =	vmov s24;
	s24 =	simm.s32 $0x20;
	v7 =	vand.u32 $0x7FFFFF, v11  }
0x15e: {  	v14 =	vor.u32 s24, v29;
	v7 =	vor.u32 $0x3F800000, v7  }
0x15f: {  	v8 =	vmul.u32 $0x11, v14;
	v4 =	vadd.f32 $-1.000000000e+00, v4;
	v9 =	vmul.f32 $5.000000000e-01, v7  }
0x160: {  	vm0 =	vgt.f32 v7, $1.414213540e+00;
	v10 =	vpop (erf)  }
0x161: {  	v9 =	vsel vm0, v9, v7;
	v10 =	vmul.f32 v10, v4  }
0x162: {  	v4 =	vadd.f32 $1.000000000e+00, v9  }
0x163: {  	v15 =	vmul.f32 v10, v10  }
0x164: {  	(erf) = vrcp.f32 v4  }
0x165: {  	v4 =	vld.idx.msk [tilespmem:v8+s30+$0x0], $0xffff;
	v7 =	vmul.f32 $2.222222240e-01, v15;
	_ =	sdelay $0x1  }
0x166: {  	v7 =	vadd.f32 $2.857142980e-01, v7;
	_ =	sdelay $0x1  }
0x167: {  	s25 =	simm.s32 $0x30;
	v7 =	vmul.f32 v7, v15  }
0x168: {  	v32 =	vimm.s32 $0xFFFFFF81;
	v13 =	vor.u32 s25, v29;
	v17 =	vand.u32 $0x7FFFFF, v4  }
0x169: {  	v23 =	vld [tilespmem:s23+$0x0];
	v0 =	vshll.u32 v0, $0x7;
	v17 =	vor.u32 $0x3F800000, v17;
	v18 =	vadd.f32 $4.000000060e-01, v7  }
0x16a: {  	v9 =	vadd.f32 $-1.000000000e+00, v9;
	v19 =	vmul.f32 $5.000000000e-01, v17;
	v7 =	vmul.u32 $0x11, v13  }
0x16b: {  	v0 =	vadd.s32 v5, v0;
	vm2 =	vgt.f32 v17, $1.414213540e+00;
	v20 =	vpop (erf);
	v21 =	vmul.f32 v18, v15  }
0x16c: {  	vm1 =	vmmov vm1;
	v9 =	vmul.f32 v20, v9;
	v18 =	vsel vm2, v19, v17  }
0x16d: {  	vm1 =	vmmov vm1;
	v20 =	vadd.f32 $1.000000000e+00, v18;
	v19 =	vadd.f32 $6.666666860e-01, v21  }
0x16e: {  	v0 =	vadd.s32 v23, v0;
	v22 =	vsel vm1, $0xFFFFFF82, v32;
	v17 =	vmul.f32 v9, v9  }
0x16f: {  	v21 =	vshra.s32 v6, $0x17;
	(erf) = vrcp.f32 v20;
	v20 =	vld [tilespmem:s22+$0x0];
	v15 =	vmul.f32 v19, v15  }
0x170: {  	v21 =	vadd.s32 v21, v22;
	v6 =	vld.idx.msk [tilespmem:v7+s30+$0x0], $0xffff;
	v19 =	vmul.f32 $2.222222240e-01, v17  }
0x171: {  	s2 =	sadd.s32 $0x10, s23;
	vm0 =	vmmov vm0;
	v24 =	vcvt.s32.f32 v21;
	v21 =	vld.idx.msk [tilespmem:v1+s29+$0x0], $0xffff;
	v22 =	vadd.f32 $2.000000000e+00, v15  }
0x172: {  	s31 =	simm.s32 $0x40;
	vm3 =	vmmov vm0;
	vm0 =	vmmov vm2;
	v1 =	vadd.f32 $2.857142980e-01, v19;
	v19 =	vld [tilespmem:s2+$0x0]  }
0x173: {  	v15 =	vor.u32 s31, v29;
	v28 =	vmul.f32 $6.931471820e-01, v24;
	v26 =	vmul.f32 v22, v10  }
0x174: {  	v22 =	vld.idx.msk [tilespmem:v0+s5+$0x0], $0xffff;
	v10 =	vmul.u32 $0x11, v15;
	v0 =	vshll.u32 v16, $0x7;
	v25 =	vmul.f32 v1, v17  }
0x175: {  	s8 =	simm.s32 $0x50;
	v23 =	vld.idx.msk [tilespmem:v23+s26+$0x0], $0xffff;
	v27 =	vand.u32 $0x7FFFFF, v6;
	v24 =	vadd.s32 v5, v0;
	v26 =	vadd.f32 v26, v28  }
.LBB2_5:
0x176: {  	p1 =	sne.s32 s8, $0xF0;
	v0 =	vor.u32 $0x3F800000, v27;
	v1 =	vadd.f32 $4.000000060e-01, v25;
	vm2 =	veq.s32 v20, $0x0  }
0x177: {  	v20 =	vadd.f32 $-1.000000000e+00, v18;
	v16 =	vmul.f32 $5.000000000e-01, v0;
	v21 =	vadd.f32 v26, v21;
	v26 =	vmovc v19  }
0x178: {  	vm1 =	vgt.f32 v0, $1.414213540e+00;
	v19 =	vpop (erf);
	v24 =	vadd.s32 v26, v24;
	v1 =	vmul.f32 v1, v17  }
0x179: {  	v18 =	vsel vm1, v16, v0;
	v0 =	vmul.f32 v19, v20;
	v16 =	vsub.f32 v21, v22  }
0x17a: {  	v22 =	vsel vm2, $0x0, v23;
	v19 =	vadd.f32 $1.000000000e+00, v18;
	v1 =	vadd.f32 $6.666666860e-01, v1  }
0x17b: {  	v23 =	vshra.s32 v11, $0x17;
	v11 =	vmovc v4;
	v4 =	vmovc v6;
	v21 =	vmul.f32 v0, v0;
	v16 =	vmul.f32 v16, v22  }
0x17c: {  	s22 =	sadd.s32 $0x10, s22;
	v6 =	vld.idx.msk [tilespmem:v10+s30+$0x0], $0xffff;
	(erf) = vrcp.f32 v19;
	v19 =	vsel vm3, $0xFFFFFF82, v32;
	v1 =	vmul.f32 v1, v17  }
0x17d: {  	v25 =	vmul.f32 $2.222222240e-01, v21;
	v20 =	vld [tilespmem:s22+$0x0];
	v19 =	vadd.s32 v23, v19;
	v3 =	vadd.f32 v16, v3;
	v17 =	vmovc v21  }
.Ltmp1:
0x17e: {  	s2 =	sadd.s32 $0x10, s2;
	v2 =	vadd.f32 v22, v2;
	v21 =	vld.idx.msk [tilespmem:v12+s29+$0x0], $0xffff;
	v1 =	vadd.f32 $2.000000000e+00, v1;
	v16 =	vcvt.s32.f32 v19;
	v12 =	vmovc v8;
	v8 =	vmovc v7;
	(pc) =	sbr.rel @p1 .LBB2_5-.Ltmp1, $4  }
0x17f: {  	vm3 =	vmmov vm0;
	vm0 =	vmmov vm1;
	v7 =	vmovc v10;
	v19 =	vld [tilespmem:s2+$0x0];
	v23 =	vadd.f32 $2.857142980e-01, v25  }
0x180: {  	v28 =	vor.u32 s8, v29;
	v22 =	vld.idx.msk [tilespmem:v24+s5+$0x0], $0xffff;
	v1 =	vmul.f32 v1, v9;
	v16 =	vmul.f32 $6.931471820e-01, v16;
	v9 =	vmovc v0  }
0x181: {  	v10 =	vmul.u32 $0x11, v28;
	v0 =	vshll.u32 v14, $0x7;
	v14 =	vmovc v13;
	v13 =	vmovc v15;
	v25 =	vmul.f32 v23, v17;
	v23 =	vld.idx.msk [tilespmem:v26+s26+$0x0], $0xffff  }
0x182: {  	s8 =	sadd.s32 $0x10, s8;
	v15 =	vmovc v28;
	v27 =	vand.u32 $0x7FFFFF, v6;
	v24 =	vadd.s32 v5, v0;
	v26 =	vadd.f32 v1, v16  }
0x183: {  	_ =	sdelay $0x3  }
0x184: {  	v16 =	vld.idx.msk [tilespmem:v10+s30+$0x0], $0xffff;
	_ =	sdelay $0x2  }
0x185: {  	v0 =	vor.u32 $0x3F800000, v27  }
0x186: {  	v1 =	vmul.f32 $5.000000000e-01, v0  }
0x187: {  	vm2 =	vgt.f32 v0, $1.414213540e+00;
	v57 =	vand.u32 $0x7FFFFF, v16  }
0x188: {  	v0 =	vsel vm2, v1, v0;
	v1 =	vor.u32 $0x3F800000, v57  }
0x189: {  	v28 =	vmul.f32 $5.000000000e-01, v1  }
0x18a: {  	v58 =	vadd.f32 $1.000000000e+00, v0;
	vm1 =	vgt.f32 v1, $1.414213540e+00  }
0x18b: {  	v1 =	vsel vm1, v28, v1  }
0x18c: {  	(erf) = vrcp.f32 v58;
	v59 =	vadd.f32 $1.000000000e+00, v1;
	_ =	sdelay $0x1  }
0x18d: {  	v25 =	vadd.f32 $4.000000060e-01, v25;
	vm4 =	veq.s32 v20, $0x0;
	v62 =	vpop (erf);
	(erf) = vrcp.f32 v59  }
0x18e: {  	v18 =	vadd.f32 $-1.000000000e+00, v18;
	v14 =	vshll.u32 v14, $0x7;
	v11 =	vshra.s32 v11, $0x17  }
0x18f: {  	v36 =	vsel vm3, $0xFFFFFF82, v32;
	v13 =	vshll.u32 v13, $0x7;
	v15 =	vshll.u32 v15, $0x7  }
0x190: {  	v12 =	vld.idx.msk [tilespmem:v12+s29+$0x0], $0xffff;
	vm0 =	vmmov vm0;
	v25 =	vmul.f32 v25, v17;
	v18 =	vmul.f32 v62, v18  }
0x191: {  	v8 =	vld.idx.msk [tilespmem:v8+s29+$0x0], $0xffff;
	v4 =	vshra.s32 v4, $0x17;
	v6 =	vshra.s32 v6, $0x17;
	v60 =	vadd.s32 v19, v24  }
0x192: {  	v7 =	vld.idx.msk [tilespmem:v7+s29+$0x0], $0xffff;
	v21 =	vadd.f32 v26, v21;
	v31 =	vadd.f32 $6.666666860e-01, v25;
	v33 =	vmul.f32 v18, v18  }
0x193: {  	s2 =	sadd.s32 $0x10, s2;
	v51 =	vld.idx.msk [tilespmem:v10+s29+$0x0], $0xffff;
	v14 =	vadd.s32 v5, v14;
	v11 =	vadd.s32 v11, v36;
	v0 =	vadd.f32 $-1.000000000e+00, v0  }
0x194: {  	s8 =	sadd.s32 $0x10, s22;
	v61 =	vld [tilespmem:s2+$0x0];
	v13 =	vadd.s32 v5, v13;
	v5 =	vadd.s32 v5, v15;
	v37 =	vmul.f32 $2.222222240e-01, v33;
	v29 =	vpop (erf)  }
0x195: {  	v63 =	vld [tilespmem:s8+$0x0];
	s2 =	sadd.s32 $0x10, s2;
	v54 =	vsel vm0, $0xFFFFFF82, v32;
	v1 =	vadd.f32 $-1.000000000e+00, v1;
	v0 =	vmul.f32 v29, v0  }
0x196: {  	p1 =	sgt.u32 s4, $0x5;
	v34 =	vld [tilespmem:s2+$0x0];
	s2 =	sadd.s32 $0x10, s2;
	v11 =	vcvt.s32.f32 v11;
	v35 =	vmul.f32 v31, v17;
	v28 =	vadd.f32 $2.857142980e-01, v37;
	v31 =	vpop (erf)  }
0x197: {  	v4 =	vadd.s32 v4, v54;
	v40 =	vld [tilespmem:s2+$0x0];
	s2 =	sshll.u32 @!p1 s4, $0x8;
	v30 =	vmul.f32 v0, v0;
	v1 =	vmul.f32 v31, v1  }
0x198: {  	v38 =	vld.idx.msk [tilespmem:v19+s26+$0x0], $0xffff;
	s8 =	sadd.s32 $0x10, s8;
	p2 =	sne.s32 @!p1 s21, $0x0;
	v23 =	vsel vm4, $0x0, v23;
	s9 =	sadd.s32 @!p1 s18, s2;
	v17 =	vadd.f32 $2.000000000e+00, v35;
	v28 =	vmul.f32 v28, v33  }
0x199: {  	v39 =	vld [tilespmem:s8+$0x0];
	p3 =	por !p2, p1;
	s8 =	sadd.s32 $0x10, s8;
	v21 =	vsub.f32 v21, v22;
	s2 =	sadd.s32 @!p1 s3, s9;
	v43 =	vmul.f32 $2.222222240e-01, v30;
	v45 =	vmul.f32 v1, v1  }
0x19a: {  	p5 =	sne.s32 @!p3 s14, $0x0;
	v44 =	vld [tilespmem:s8+$0x0];
	s8 =	sadd.s32 $0x10, s8;
	v11 =	vmul.f32 $6.931471820e-01, v11;
	v14 =	vadd.s32 v61, v14;
	p4 =	slt.s32 @!p3 s2, $0xFFFFFFFF;
	v9 =	vmul.f32 v17, v9  }
0x19b: {  	v50 =	vld [tilespmem:s8+$0x0];
	p4 =	por @!p3 !p5, !p4;
	v42 =	vadd.f32 $4.000000060e-01, v28;
	v28 =	vadd.f32 $2.857142980e-01, v43;
	v46 =	vmul.f32 $2.222222240e-01, v45  }
0x19c: {  	vm2 =	vmmov vm2;
	v20 =	vld.idx.msk [tilespmem:v60+s5+$0x0], $0xffff;
	v13 =	vadd.s32 v34, v13;
	v5 =	vadd.s32 v40, v5;
	p4 =	por @!p3 !p4, !p4  }
0x19d: {  	v41 =	vld.idx.msk [tilespmem:v61+s26+$0x0], $0xffff;
	p4 =	por @!p1 !p4, !p2;
	v9 =	vadd.f32 v9, v11;
	v49 =	vmul.f32 v28, v30;
	v11 =	vadd.f32 $2.857142980e-01, v46  }
0x19e: {  	s21 =	simm.s32 @!p3 $0x1;
	v4 =	vcvt.s32.f32 v4;
	v2 =	vadd.f32 v23, v2;
	s10 =	sadd.s32 @!p1 $0x1, s2;
	v47 =	vld.idx.msk [tilespmem:v34+s26+$0x0], $0xffff;
	p4 =	por !p4, p1;
	v24 =	vmul.f32 v42, v33  }
0x19f: {  	vm2 =	vmmov vm2;
	s9 =	sshll.u32 @!p1 s9, $0x4;
	s8 =	sshrl.u32 @!p1 s10, $0x3;
	v14 =	vld.idx.msk [tilespmem:v14+s5+$0x0], $0xffff;
	s21 =	simm.s32 @!p4 $0x0;
	v53 =	vadd.f32 $4.000000060e-01, v49;
	v11 =	vmul.f32 v11, v45  }
0x1a0: {  	s23 =	simm.s32 @!p3 $0x8000;
	v21 =	vmul.f32 v21, v23;
	v56 =	vsel vm2, $0xFFFFFF82, v32;
	v55 =	vld.idx.msk [tilespmem:v40+s26+$0x0], $0xffff;
	s10 =	ssub.s32 @!p3 s8, s21;
	s21 =	sand.u32 @!p3 $0x1FFFF000, s9;
	v48 =	vadd.f32 $6.666666860e-01, v24  }
0x1a1: {  	s22 =	simm.s32 @!p3 $0x0;
	v4 =	vmul.f32 $6.931471820e-01, v4;
	v13 =	vld.idx.msk [tilespmem:v13+s5+$0x0], $0xffff;
	s10 =	sand.u32 @!p3 $0x1FFFFFFF, s10;
	s21 =	sadd.s32 @!p3 s1, s21;
	v23 =	vmul.f32 v53, v30;
	v11 =	vadd.f32 $4.000000060e-01, v11  }
0x1a2: {  	v16 =	vshra.s32 v16, $0x17;
	vm12 =	veq.s32 v63, $0x0;
	v5 =	vld.idx.msk [tilespmem:v5+s5+$0x0], $0xffff;
	[tilespmem:s23], [sflag:$0x2] =	stream.linear.gather @!p3 [hbm4b:s21+s22], $0x8000, $0x38;
	v52 =	vmul.f32 v48, v33  }
0x1a3: {  	v3 =	vadd.f32 v21, v3;
	s21 =	sadd.s32 @!p3 s6, s10;
	s23 =	simm.s32 @!p3 $0x10108;
	v23 =	vadd.f32 $6.666666860e-01, v23;
	v11 =	vmul.f32 v11, v45  }
0x1a4: {  	v6 =	vadd.s32 v6, v56;
	v9 =	vadd.f32 v9, v12;
	[tilespmem:s23], [sflag:$0x2] =	stream.linear.gather @!p3 [hbm4b:s21+s22], $0x108, $0x38;
	v12 =	vadd.f32 $2.000000000e+00, v52;
	[tilespmem:$0x12880] =	vst v63  }
0x1a5: {  	vm1 =	vmmov vm1;
	s10 =	sadd.s32 @!p3 s7, s10;
	s21 =	simm.s32 @!p3 $0x10388;
	v57 =	vmul.f32 v23, v30;
	v11 =	vadd.f32 $6.666666860e-01, v11  }
0x1a6: {  	v6 =	vcvt.s32.f32 v6;
	vm1 =	vmmov vm1;
	[tilespmem:s21], [sflag:$0x2] =	stream.linear.gather @!p3 [hbm4b:s10+s22], $0x108, $0x38;
	v12 =	vmul.f32 v12, v18;
	[tilespmem:$0x12880] =	vst v63  }
0x1a7: {  	v58 =	vsel vm1, $0xFFFFFF82, v32;
	p3 =	por p2, p1;
	v18 =	vadd.f32 $2.000000000e+00, v57;
	v11 =	vmul.f32 v11, v45  }
0x1a8: {  	v6 =	vmul.f32 $6.931471820e-01, v6;
	v59 =	vadd.s32 v16, v58;
	p4 =	slt.s32 @!p3 s2, $0xFFFFFFFF;
	p5 =	sne.s32 @!p3 s14, $0x0;
	v4 =	vadd.f32 v12, v4  }
0x1a9: {  	p4 =	por @!p3 !p5, !p4;
	v12 =	vcvt.s32.f32 v59;
	v0 =	vmul.f32 v18, v0;
	v11 =	vadd.f32 $2.000000000e+00, v11  }
0x1aa: {  	v60 =	vsel vm12, $0x0, v38;
	v9 =	vsub.f32 v9, v20;
	p4 =	por @!p3 !p4, !p4;
	v4 =	vadd.f32 v4, v8  }
0x1ab: {  	p2 =	por @!p1 !p4, p2;
	v61 =	vmul.f32 $6.931471820e-01, v12;
	v0 =	vadd.f32 v0, v6;
	v1 =	vmul.f32 v11, v1  }
0x1ac: {  	vm13 =	veq.s32 v39, $0x0;
	v62 =	vmul.f32 v9, v60;
	s2 =	simm.s32 @!p3 $0x1;
	p1 =	por !p2, p1;
	v4 =	vsub.f32 v4, v14  }
0x1ad: {  	v63 =	vsel vm13, $0x0, v41;
	s2 =	simm.s32 @!p1 $0x0;
	v0 =	vadd.f32 v0, v7;
	v1 =	vadd.f32 v1, v61  }
0x1ae: {  	s4 =	sadd.s32 $0x1, s4;
	v2 =	vadd.f32 v60, v2;
	v3 =	vadd.f32 v62, v3;
	s2 =	ssub.s32 @!p3 s8, s2;
	s8 =	sand.u32 @!p3 $0x1FFFE000, s9;
	v4 =	vmul.f32 v4, v63  }
0x1af: {  	vm14 =	veq.s32 v44, $0x0;
	p1 =	sne.s32 s4, $0x8;
	s9 =	simm.s32 @!p3 $0x0;
	s8 =	sadd.s32 @!p3 s1, s8;
	v0 =	vsub.f32 v0, v13;
	v1 =	vadd.f32 v1, v51  }
0x1b0: {  	vm15 =	veq.s32 v50, $0x0;
	[tilespmem:s9], [sflag:$0x1] =	stream.linear.gather @!p3 [hbm4b:s8+s9], $0x8000, $0x38;
	v3 =	vadd.f32 v4, v3;
	v4 =	vsel vm14, $0x0, v47;
	[tilespmem:$0x12880] =	vst v63  }
.Ltmp2:
0x1b1: {  	v2 =	vadd.f32 v63, v2;
	s2 =	sand.u32 @!p3 $0x1FFFFFFF, s2;
	v0 =	vmul.f32 v0, v4;
	v1 =	vsub.f32 v1, v5;
	(pc) =	sbr.rel @p1 .LBB2_2-.Ltmp2, $4  }
0x1b2: {  	s10 =	simm.s32 @!p3 $0x10000;
	s8 =	sadd.s32 @!p3 s6, s2;
	v5 =	vsel vm15, $0x0, v55  }
0x1b3: {  	[tilespmem:s10], [sflag:$0x1] =	stream.linear.gather @!p3 [hbm4b:s8+s9], $0x108, $0x38;
	v2 =	vadd.f32 v4, v2;
	v0 =	vadd.f32 v0, v3;
	v1 =	vmul.f32 v1, v5;
	[tilespmem:$0x12880] =	vst v63  }
0x1b4: {  	p0 =	por !p0, !p0;
	s2 =	sadd.s32 @!p3 s7, s2;
	s8 =	simm.s32 @!p3 $0x10280  }
0x1b5: {  	[tilespmem:s8], [sflag:$0x1] =	stream.linear.gather @!p3 [hbm4b:s2+s9], $0x108, $0x38;
	v2 =	vadd.f32 v5, v2;
	v3 =	vadd.f32 v1, v0;
	[tilespmem:$0x12880] =	vst v63  }
0x1b6: {  	_ = 	snop  }
0x1b7: {  	[tilespmem:$0x12780] =	vst v3  }
0x1b8: {  	s2 =	simm.s32 $0x12780;
	[tilespmem:$0x12800] =	vst v2  }
0x1b9: {  	[hbm4b:s15+s5] =	stream.linear.scatter [tilespmem:s2], [sflag:$0x3], $0x80, $0x38;
	[tilespmem:$0x12880] =	vst v63  }
0x1ba: {  	s0 =	sadd.s32 $0x1, s0;
	_ =	swait.ge [sflag:s28], $0x80  }
0x1bb: {  	p0 =	sne.s32 s0, s17;
	[sflag:s28] =	ssyncset.done $0x0  }
.Ltmp3:
0x1bc: {  	s31 =	simm.s32 $0x12800;
	[sflag:s28] =	ssyncadd.s32 $0xFFFFFF80;
	(pc) =	sbr.rel @p0 .LBB2_1-.Ltmp3, $4  }
0x1bd: {  	[hbm4b:s16+s5] =	stream.linear.scatter [tilespmem:s31], [sflag:$0x3], $0x80, $0x38;
	[tilespmem:$0x12880] =	vst v63  }
0x1be: {  	_ =	swait.ge [sflag:s28], $0x80  }
0x1bf: {  	[sflag:s28] =	ssyncset.done $0x0  }
0x1c0: {  	[sflag:s28] =	ssyncadd.s32 $0xFFFFFF80  }
0x1c1: {  	_ =	sfence.sel $0x180000  }
0x1c2: {  	[bflag:$0x0] =	sbarrier.arrive $0xFFFF  }
0x1c3: {  	_ =	strace $0x90000047  }
0x1c4: {  	s0 =	stileid.u32;
	[bflag:$0x2] =	sbarrier.arrive $0xFFFF  }
0x1c5: {  	p0 =	sne.s32 s0, $0x0;
	s0 =	rddreg [dreg:$0x3]  }
0x1c6: {  	s0 =	sadd.s32 @!p0 $0x100000, s0  }
0x1c7: {  	[sflag:s0] =	ssyncadd.tile.s32 @!p0 $0x1;
	_ =	shalt  }
.Lfunc_end2:
_tile_overlayer_lowered:
.L_overlay_start_2:
0x1c8: {  	(tag) =	ssettag $0x2  }
0x1c9: {  	s0 =	rddreg [dreg:$0x0];
	s2 =	stileid.u32  }
0x1ca: {  	s1 =	rddreg [dreg:$0x1];
	p0 =	sne.s32 s2, $0x0  }
0x1cb: {  	s3 =	rddreg [dreg:$0x2];
	[bflag:$0x3] =	sbarrier.arrive $0xFFFF;
	s2 =	simm.s32 @!p0 $0x1C03  }
0x1cc: {  	[timem:s3], [sflag:s2] =	dma.local @!p0 [hbm:s0], s1  }
0x1cd: {  	s0 =	simm.s32 @!p0 $0x3  }
0x1ce: {  	_ =	swait.ge @!p0 [sflag:s0], s1  }
0x1cf: {  	s1 =	ssub.s32 @!p0 $0x0, s1;
	[sflag:s0] =	ssyncset.done @!p0 $0x0  }
0x1d0: {  	[sflag:s0] =	ssyncadd.s32 @!p0 s1  }
0x1d1: {  	[bflag:$0x3] =	sbarrier.arrive $0xFFFF  }
0x1d2: {  	_ =	shalt  }

</sc_bundles>
